<compile_context>
chip_gen: v7x
topology: tpu7x:2x2x1
jax: 0.10.2.dev20260603
libtpu: 0.0.44.dev20260713+nightly
codegen_flags: <defaults>
</compile_context>

<pallas_src>
import functools

import jax
import jax.numpy as jnp
from jax import lax
from jax.experimental import pallas as pl
from jax.experimental.pallas import tpu as pltpu
from jax.experimental.pallas import tpu_sc as plsc

_NCHUNK = 16
_VCHUNK = 64


@functools.cache
def _make_gather(V, D, B):
    info = plsc.get_sparse_core_info()
    NC, NS = info.num_cores, info.num_subcores
    NW = NC * NS
    assert B % (8 * NW) == 0
    b_per_w = B // NW
    nch = _NCHUNK
    assert b_per_w % nch == 0
    w = b_per_w // nch
    vch = _VCHUNK
    n_full = V // vch
    assert n_full <= NS
    v_rem = V - n_full * vch
    mesh = plsc.VectorSubcoreMesh(core_axis_name="c", subcore_axis_name="s")

    @functools.partial(
        pl.kernel,
        mesh=mesh,
        out_type=jax.ShapeDtypeStruct((B, D), jnp.float32),
        scratch_types=[
            pltpu.VMEM((b_per_w,), jnp.int32),
            pltpu.VMEM((b_per_w, D), jnp.float32),
            pltpu.VMEM_SHARED((V, D), jnp.float32),
            pltpu.SemaphoreType.DMA((nch,)),
            pltpu.SemaphoreType.DMA,
        ],
    )
    def k(idx_hbm, table_hbm, out_hbm, idx_v, rows_v, table_sh, in_sems, out_sem):
        sid = lax.axis_index("s")
        wid = sid * NC + lax.axis_index("c")
        base = wid * b_per_w
        @pl.when(sid < n_full)
        def _stage_full():
            pltpu.sync_copy(
                table_hbm.at[pl.ds(sid * vch, vch)],
                table_sh.at[pl.ds(sid * vch, vch)],
            )

        if v_rem:
            @pl.when(sid == n_full)
            def _stage_rem():
                pltpu.sync_copy(
                    table_hbm.at[pl.ds(n_full * vch, v_rem)],
                    table_sh.at[pl.ds(n_full * vch, v_rem)],
                )

        pltpu.sync_copy(idx_hbm.at[pl.ds(base, b_per_w)], idx_v)
        plsc.subcore_barrier()
        gathers = [
            pltpu.async_copy(
                table_sh.at[idx_v.at[pl.ds(c * w, w)]],
                rows_v.at[pl.ds(c * w, w)],
                in_sems.at[c],
            )
            for c in range(nch)
        ]
        outs = []
        for c in range(nch):
            gathers[c].wait()
            outs.append(
                pltpu.async_copy(
                    rows_v.at[pl.ds(c * w, w)],
                    out_hbm.at[pl.ds(base + c * w, w)],
                    out_sem,
                )
            )
        for o in outs:
            o.wait()

    return k


def kernel(style_id, style_table):
    B = style_id.shape[0]
    V, D = style_table.shape
    g = _make_gather(V, D, B)
    return g(style_id.astype(jnp.int32), style_table)

# --- scband reference (transcript-rebuilt; emitter-appended) ---
"""Pipeline reference for scband-style-embedding-17188459119280 (READ-ONLY COPY).

The authoritative reference and input builder live on the scoring server;
editing this copy changes nothing except your own understanding.
"""

import jax, jax.numpy as jnp
import numpy as np

N_STYLES = 1000
LATENT_DIM = 128
BATCH = 16384

def setup_inputs(seed: int = 0) -> dict:
    key = jax.random.key(seed)
    k1, k2 = jax.random.split(key)
    style_id = jax.random.randint(k1, (BATCH,), 0, N_STYLES, dtype=jnp.int64 if jax.config.jax_enable_x64 else jnp.int32)
    style_table = jax.random.normal(k2, (N_STYLES, LATENT_DIM), dtype=jnp.float32) * 0.02
    return {"style_id": style_id, "style_table": style_table}

def reference(style_id, style_table):
    # Faithful translation of StyleEmbedding.__call__: gather rows from the table.
    z_style = jnp.take(style_table, style_id, axis=0)
    return z_style

if __name__ == "__main__":
    import jax
    _d = setup_inputs()
    print(jax.jit(kernel)(*tuple(_d.values())))

</pallas_src>

<mosaic_0001>
#map = affine_map<(d0, d1) -> (0)>
#map1 = affine_map<(d0, d1) -> (0, 0)>
module attributes {stable_mosaic.version = 14 : i64} {
  func.func @k(%arg0: i32, %arg1: i32, %arg2: memref<16384xi32, #tpu.memory_space<hbm>>, %arg3: memref<1000x128xf32, #tpu.memory_space<hbm>>, %arg4: memref<16384x128xf32, #tpu.memory_space<hbm>>, %arg5: memref<512xi32, #tpu.memory_space<vmem>>, %arg6: memref<512x128xf32, #tpu.memory_space<vmem>>, %arg7: memref<1000x128xf32, #tpu.memory_space<vmem_shared>>, %arg8: memref<16x!tpu.dma_semaphore, #tpu.memory_space<semaphore_mem>>, %arg9: memref<!tpu.dma_semaphore, #tpu.memory_space<semaphore_mem>>) attributes {dimension_semantics = [#tpu.dimension_semantics<core_parallel>, #tpu.dimension_semantics<subcore_parallel>], iteration_bounds = array<i64: 2, 16>, scalar_prefetch = 0 : i64, scratch_operands = 5 : i64, tpu.core_type = #tpu.core_type<sc_vector_subcore>, window_params = [{transform_indices = #map}, {transform_indices = #map1}, {transform_indices = #map1}]} {
    %mul3A = arith.constant 2 : i32
    %mul3A_0 = arith.muli %arg1, %mul3A : i32
    %add3A = arith.addi %mul3A_0, %arg0 : i32
    %mul3A_1 = arith.constant 512 : i32
    %mul3A_2 = arith.muli %add3A, %mul3A_1 : i32
    %lt3A = arith.constant 15 : i32
    %lt3A_3 = arith.cmpi slt, %arg1, %lt3A : i32
    %convert_element_type3A = arith.extui %lt3A_3 : i1 to i32
    %cond3A = arith.constant 0 : i32
    %cond3A_4 = arith.cmpi ne, %convert_element_type3A, %cond3A : i32
    scf.if %cond3A_4 {
      %mul3A_711 = arith.constant 64 : i32
      %mul3A_712 = arith.muli %arg1, %mul3A_711 : i32
      %mul3A_713 = arith.constant 64 : i32
      %mul3A_714 = arith.muli %arg1, %mul3A_713 : i32
      "tpu.region"() ({
        %run_scoped3A = tpu.sem_alloc : memref<!tpu.dma_semaphore, #tpu.memory_space<semaphore_mem>>
        %dma_start3A_715 = arith.constant 0 : i32
        %dma_start3A_716 = tpu.memref_slice %arg7[%mul3A_714, %dma_start3A_715] : memref<1000x128xf32, #tpu.memory_space<vmem_shared>> -> memref<64x128xf32, #tpu.memory_space<vmem_shared>>
        %dma_start3A_717 = arith.constant 0 : i32
        %dma_start3A_718 = tpu.memref_slice %arg3[%mul3A_712, %dma_start3A_717] : memref<1000x128xf32, #tpu.memory_space<hbm>> -> memref<64x128xf32, #tpu.memory_space<hbm>>
        tpu.enqueue_dma source(%dma_start3A_718 : memref<64x128xf32, #tpu.memory_space<hbm>>) target(%dma_start3A_716 : memref<64x128xf32, #tpu.memory_space<vmem_shared>>) target_semaphore(%run_scoped3A : memref<!tpu.dma_semaphore, #tpu.memory_space<semaphore_mem>>)
        %dma_wait3A_719 = arith.constant 0 : i32
        %dma_wait3A_720 = tpu.memref_slice %arg7[%mul3A_714, %dma_wait3A_719] : memref<1000x128xf32, #tpu.memory_space<vmem_shared>> -> memref<64x128xf32, #tpu.memory_space<vmem_shared>>
        %dma_wait3A_721 = arith.constant 0 : i32
        %dma_wait3A_722 = tpu.memref_slice %arg3[%mul3A_712, %dma_wait3A_721] : memref<1000x128xf32, #tpu.memory_space<hbm>> -> memref<64x128xf32, #tpu.memory_space<hbm>>
        tpu.wait_dma2 semaphore(%run_scoped3A : memref<!tpu.dma_semaphore, #tpu.memory_space<semaphore_mem>>) src(%dma_wait3A_722 : memref<64x128xf32, #tpu.memory_space<hbm>>) dst(%dma_wait3A_720 : memref<64x128xf32, #tpu.memory_space<vmem_shared>>)
        tpu.yield
      }) : () -> ()
    } else {
    }
    %eq3A = arith.constant 15 : i32
    %eq3A_5 = arith.cmpi eq, %arg1, %eq3A : i32
    %convert_element_type3A_6 = arith.extui %eq3A_5 : i1 to i32
    %cond3A_7 = arith.constant 0 : i32
    %cond3A_8 = arith.cmpi ne, %convert_element_type3A_6, %cond3A_7 : i32
    scf.if %cond3A_8 {
      "tpu.region"() ({
        %run_scoped3A = tpu.sem_alloc : memref<!tpu.dma_semaphore, #tpu.memory_space<semaphore_mem>>
        %dma_start3A_711 = arith.constant 960 : i32
        %dma_start3A_712 = arith.constant 0 : i32
        %dma_start3A_713 = tpu.memref_slice %arg7[%dma_start3A_711, %dma_start3A_712] : memref<1000x128xf32, #tpu.memory_space<vmem_shared>> -> memref<40x128xf32, #tpu.memory_space<vmem_shared>>
        %dma_start3A_714 = arith.constant 960 : i32
        %dma_start3A_715 = arith.constant 0 : i32
        %dma_start3A_716 = tpu.memref_slice %arg3[%dma_start3A_714, %dma_start3A_715] : memref<1000x128xf32, #tpu.memory_space<hbm>> -> memref<40x128xf32, #tpu.memory_space<hbm>>
        tpu.enqueue_dma source(%dma_start3A_716 : memref<40x128xf32, #tpu.memory_space<hbm>>) target(%dma_start3A_713 : memref<40x128xf32, #tpu.memory_space<vmem_shared>>) target_semaphore(%run_scoped3A : memref<!tpu.dma_semaphore, #tpu.memory_space<semaphore_mem>>)
        %dma_wait3A_717 = arith.constant 960 : i32
        %dma_wait3A_718 = arith.constant 0 : i32
        %dma_wait3A_719 = tpu.memref_slice %arg7[%dma_wait3A_717, %dma_wait3A_718] : memref<1000x128xf32, #tpu.memory_space<vmem_shared>> -> memref<40x128xf32, #tpu.memory_space<vmem_shared>>
        %dma_wait3A_720 = arith.constant 960 : i32
        %dma_wait3A_721 = arith.constant 0 : i32
        %dma_wait3A_722 = tpu.memref_slice %arg3[%dma_wait3A_720, %dma_wait3A_721] : memref<1000x128xf32, #tpu.memory_space<hbm>> -> memref<40x128xf32, #tpu.memory_space<hbm>>
        tpu.wait_dma2 semaphore(%run_scoped3A : memref<!tpu.dma_semaphore, #tpu.memory_space<semaphore_mem>>) src(%dma_wait3A_722 : memref<40x128xf32, #tpu.memory_space<hbm>>) dst(%dma_wait3A_719 : memref<40x128xf32, #tpu.memory_space<vmem_shared>>)
        tpu.yield
      }) : () -> ()
    } else {
    }
    "tpu.region"() ({
      %run_scoped3A = tpu.sem_alloc : memref<!tpu.dma_semaphore, #tpu.memory_space<semaphore_mem>>
      %dma_start3A_711 = tpu.memref_slice %arg2[%mul3A_2] : memref<16384xi32, #tpu.memory_space<hbm>> -> memref<512xi32, #tpu.memory_space<hbm>>
      %dma_start3A_712 = tpu.memref_slice %arg2[%mul3A_2] : memref<16384xi32, #tpu.memory_space<hbm>> -> memref<512xi32, #tpu.memory_space<hbm>>
      tpu.enqueue_dma source(%dma_start3A_712 : memref<512xi32, #tpu.memory_space<hbm>>) target(%arg5 : memref<512xi32, #tpu.memory_space<vmem>>) target_semaphore(%run_scoped3A : memref<!tpu.dma_semaphore, #tpu.memory_space<semaphore_mem>>)
      %dma_wait3A_713 = tpu.memref_slice %arg2[%mul3A_2] : memref<16384xi32, #tpu.memory_space<hbm>> -> memref<512xi32, #tpu.memory_space<hbm>>
      %dma_wait3A_714 = tpu.memref_slice %arg2[%mul3A_2] : memref<16384xi32, #tpu.memory_space<hbm>> -> memref<512xi32, #tpu.memory_space<hbm>>
      tpu.wait_dma2 semaphore(%run_scoped3A : memref<!tpu.dma_semaphore, #tpu.memory_space<semaphore_mem>>) src(%dma_wait3A_714 : memref<512xi32, #tpu.memory_space<hbm>>) dst(%arg5 : memref<512xi32, #tpu.memory_space<vmem>>)
      tpu.yield
    }) : () -> ()
    %barrier3A = arith.constant 0 : index
    tpu.barrier barrier_id(%barrier3A)
    %dma_start3A = arith.constant 0 : i32
    %dma_start3A_9 = arith.constant 0 : i32
    %dma_start3A_10 = arith.constant 0 : i32
    %dma_start3A_11 = tpu.memref_slice %arg6[%dma_start3A_9, %dma_start3A_10] : memref<512x128xf32, #tpu.memory_space<vmem>> -> memref<32x128xf32, #tpu.memory_space<vmem>>
    %dma_start3A_12 = arith.constant 0 : i32
    %dma_start3A_13 = tpu.memref_slice %arg5[%dma_start3A_12] : memref<512xi32, #tpu.memory_space<vmem>> -> memref<32xi32, #tpu.memory_space<vmem>>
    %dma_start3A_14 = arith.constant 0 : i32
    %dma_start3A_15 = arith.constant 0 : i32
    %dma_start3A_16 = tpu.memref_slice %arg7[%dma_start3A_14, %dma_start3A_15] : memref<1000x128xf32, #tpu.memory_space<vmem_shared>> -> memref<1000x128xf32, #tpu.memory_space<vmem_shared>>
    %dma_start3A_17 = tpu.memref_slice %arg8[%dma_start3A] : memref<16x!tpu.dma_semaphore, #tpu.memory_space<semaphore_mem>> -> memref<1x!tpu.dma_semaphore, #tpu.memory_space<semaphore_mem>>
    %dma_start3A_18 = tpu.memref_squeeze %dma_start3A_17 : memref<1x!tpu.dma_semaphore, #tpu.memory_space<semaphore_mem>> -> memref<!tpu.dma_semaphore, #tpu.memory_space<semaphore_mem>>
    tpu.enqueue_indirect_dma source(%dma_start3A_16 : memref<1000x128xf32, #tpu.memory_space<vmem_shared>>) target(%dma_start3A_11 : memref<32x128xf32, #tpu.memory_space<vmem>>) offsets(%dma_start3A_13 : memref<32xi32, #tpu.memory_space<vmem>>) semaphore(%dma_start3A_18 : memref<!tpu.dma_semaphore, #tpu.memory_space<semaphore_mem>>)
    %dma_start3A_19 = arith.constant 1 : i32
    %dma_start3A_20 = arith.constant 32 : i32
    %dma_start3A_21 = arith.constant 0 : i32
    %dma_start3A_22 = tpu.memref_slice %arg6[%dma_start3A_20, %dma_start3A_21] : memref<512x128xf32, #tpu.memory_space<vmem>> -> memref<32x128xf32, #tpu.memory_space<vmem>>
    %dma_start3A_23 = arith.constant 32 : i32
    %dma_start3A_24 = tpu.memref_slice %arg5[%dma_start3A_23] : memref<512xi32, #tpu.memory_space<vmem>> -> memref<32xi32, #tpu.memory_space<vmem>>
    %dma_start3A_25 = arith.constant 0 : i32
    %dma_start3A_26 = arith.constant 0 : i32
    %dma_start3A_27 = tpu.memref_slice %arg7[%dma_start3A_25, %dma_start3A_26] : memref<1000x128xf32, #tpu.memory_space<vmem_shared>> -> memref<1000x128xf32, #tpu.memory_space<vmem_shared>>
    %dma_start3A_28 = tpu.memref_slice %arg8[%dma_start3A_19] : memref<16x!tpu.dma_semaphore, #tpu.memory_space<semaphore_mem>> -> memref<1x!tpu.dma_semaphore, #tpu.memory_space<semaphore_mem>>
    %dma_start3A_29 = tpu.memref_squeeze %dma_start3A_28 : memref<1x!tpu.dma_semaphore, #tpu.memory_space<semaphore_mem>> -> memref<!tpu.dma_semaphore, #tpu.memory_space<semaphore_mem>>
    tpu.enqueue_indirect_dma source(%dma_start3A_27 : memref<1000x128xf32, #tpu.memory_space<vmem_shared>>) target(%dma_start3A_22 : memref<32x128xf32, #tpu.memory_space<vmem>>) offsets(%dma_start3A_24 : memref<32xi32, #tpu.memory_space<vmem>>) semaphore(%dma_start3A_29 : memref<!tpu.dma_semaphore, #tpu.memory_space<semaphore_mem>>)
    %dma_start3A_30 = arith.constant 2 : i32
    %dma_start3A_31 = arith.constant 64 : i32
    %dma_start3A_32 = arith.constant 0 : i32
    %dma_start3A_33 = tpu.memref_slice %arg6[%dma_start3A_31, %dma_start3A_32] : memref<512x128xf32, #tpu.memory_space<vmem>> -> memref<32x128xf32, #tpu.memory_space<vmem>>
    %dma_start3A_34 = arith.constant 64 : i32
    %dma_start3A_35 = tpu.memref_slice %arg5[%dma_start3A_34] : memref<512xi32, #tpu.memory_space<vmem>> -> memref<32xi32, #tpu.memory_space<vmem>>
    %dma_start3A_36 = arith.constant 0 : i32
    %dma_start3A_37 = arith.constant 0 : i32
    %dma_start3A_38 = tpu.memref_slice %arg7[%dma_start3A_36, %dma_start3A_37] : memref<1000x128xf32, #tpu.memory_space<vmem_shared>> -> memref<1000x128xf32, #tpu.memory_space<vmem_shared>>
    %dma_start3A_39 = tpu.memref_slice %arg8[%dma_start3A_30] : memref<16x!tpu.dma_semaphore, #tpu.memory_space<semaphore_mem>> -> memref<1x!tpu.dma_semaphore, #tpu.memory_space<semaphore_mem>>
    %dma_start3A_40 = tpu.memref_squeeze %dma_start3A_39 : memref<1x!tpu.dma_semaphore, #tpu.memory_space<semaphore_mem>> -> memref<!tpu.dma_semaphore, #tpu.memory_space<semaphore_mem>>
    tpu.enqueue_indirect_dma source(%dma_start3A_38 : memref<1000x128xf32, #tpu.memory_space<vmem_shared>>) target(%dma_start3A_33 : memref<32x128xf32, #tpu.memory_space<vmem>>) offsets(%dma_start3A_35 : memref<32xi32, #tpu.memory_space<vmem>>) semaphore(%dma_start3A_40 : memref<!tpu.dma_semaphore, #tpu.memory_space<semaphore_mem>>)
    %dma_start3A_41 = arith.constant 3 : i32
    %dma_start3A_42 = arith.constant 96 : i32
    %dma_start3A_43 = arith.constant 0 : i32
    %dma_start3A_44 = tpu.memref_slice %arg6[%dma_start3A_42, %dma_start3A_43] : memref<512x128xf32, #tpu.memory_space<vmem>> -> memref<32x128xf32, #tpu.memory_space<vmem>>
    %dma_start3A_45 = arith.constant 96 : i32
    %dma_start3A_46 = tpu.memref_slice %arg5[%dma_start3A_45] : memref<512xi32, #tpu.memory_space<vmem>> -> memref<32xi32, #tpu.memory_space<vmem>>
    %dma_start3A_47 = arith.constant 0 : i32
    %dma_start3A_48 = arith.constant 0 : i32
    %dma_start3A_49 = tpu.memref_slice %arg7[%dma_start3A_47, %dma_start3A_48] : memref<1000x128xf32, #tpu.memory_space<vmem_shared>> -> memref<1000x128xf32, #tpu.memory_space<vmem_shared>>
    %dma_start3A_50 = tpu.memref_slice %arg8[%dma_start3A_41] : memref<16x!tpu.dma_semaphore, #tpu.memory_space<semaphore_mem>> -> memref<1x!tpu.dma_semaphore, #tpu.memory_space<semaphore_mem>>
    %dma_start3A_51 = tpu.memref_squeeze %dma_start3A_50 : memref<1x!tpu.dma_semaphore, #tpu.memory_space<semaphore_mem>> -> memref<!tpu.dma_semaphore, #tpu.memory_space<semaphore_mem>>
    tpu.enqueue_indirect_dma source(%dma_start3A_49 : memref<1000x128xf32, #tpu.memory_space<vmem_shared>>) target(%dma_start3A_44 : memref<32x128xf32, #tpu.memory_space<vmem>>) offsets(%dma_start3A_46 : memref<32xi32, #tpu.memory_space<vmem>>) semaphore(%dma_start3A_51 : memref<!tpu.dma_semaphore, #tpu.memory_space<semaphore_mem>>)
    %dma_start3A_52 = arith.constant 4 : i32
    %dma_start3A_53 = arith.constant 128 : i32
    %dma_start3A_54 = arith.constant 0 : i32
    %dma_start3A_55 = tpu.memref_slice %arg6[%dma_start3A_53, %dma_start3A_54] : memref<512x128xf32, #tpu.memory_space<vmem>> -> memref<32x128xf32, #tpu.memory_space<vmem>>
    %dma_start3A_56 = arith.constant 128 : i32
    %dma_start3A_57 = tpu.memref_slice %arg5[%dma_start3A_56] : memref<512xi32, #tpu.memory_space<vmem>> -> memref<32xi32, #tpu.memory_space<vmem>>
    %dma_start3A_58 = arith.constant 0 : i32
    %dma_start3A_59 = arith.constant 0 : i32
    %dma_start3A_60 = tpu.memref_slice %arg7[%dma_start3A_58, %dma_start3A_59] : memref<1000x128xf32, #tpu.memory_space<vmem_shared>> -> memref<1000x128xf32, #tpu.memory_space<vmem_shared>>
    %dma_start3A_61 = tpu.memref_slice %arg8[%dma_start3A_52] : memref<16x!tpu.dma_semaphore, #tpu.memory_space<semaphore_mem>> -> memref<1x!tpu.dma_semaphore, #tpu.memory_space<semaphore_mem>>
    %dma_start3A_62 = tpu.memref_squeeze %dma_start3A_61 : memref<1x!tpu.dma_semaphore, #tpu.memory_space<semaphore_mem>> -> memref<!tpu.dma_semaphore, #tpu.memory_space<semaphore_mem>>
    tpu.enqueue_indirect_dma source(%dma_start3A_60 : memref<1000x128xf32, #tpu.memory_space<vmem_shared>>) target(%dma_start3A_55 : memref<32x128xf32, #tpu.memory_space<vmem>>) offsets(%dma_start3A_57 : memref<32xi32, #tpu.memory_space<vmem>>) semaphore(%dma_start3A_62 : memref<!tpu.dma_semaphore, #tpu.memory_space<semaphore_mem>>)
    %dma_start3A_63 = arith.constant 5 : i32
    %dma_start3A_64 = arith.constant 160 : i32
    %dma_start3A_65 = arith.constant 0 : i32
    %dma_start3A_66 = tpu.memref_slice %arg6[%dma_start3A_64, %dma_start3A_65] : memref<512x128xf32, #tpu.memory_space<vmem>> -> memref<32x128xf32, #tpu.memory_space<vmem>>
    %dma_start3A_67 = arith.constant 160 : i32
    %dma_start3A_68 = tpu.memref_slice %arg5[%dma_start3A_67] : memref<512xi32, #tpu.memory_space<vmem>> -> memref<32xi32, #tpu.memory_space<vmem>>
    %dma_start3A_69 = arith.constant 0 : i32
    %dma_start3A_70 = arith.constant 0 : i32
    %dma_start3A_71 = tpu.memref_slice %arg7[%dma_start3A_69, %dma_start3A_70] : memref<1000x128xf32, #tpu.memory_space<vmem_shared>> -> memref<1000x128xf32, #tpu.memory_space<vmem_shared>>
    %dma_start3A_72 = tpu.memref_slice %arg8[%dma_start3A_63] : memref<16x!tpu.dma_semaphore, #tpu.memory_space<semaphore_mem>> -> memref<1x!tpu.dma_semaphore, #tpu.memory_space<semaphore_mem>>
    %dma_start3A_73 = tpu.memref_squeeze %dma_start3A_72 : memref<1x!tpu.dma_semaphore, #tpu.memory_space<semaphore_mem>> -> memref<!tpu.dma_semaphore, #tpu.memory_space<semaphore_mem>>
    tpu.enqueue_indirect_dma source(%dma_start3A_71 : memref<1000x128xf32, #tpu.memory_space<vmem_shared>>) target(%dma_start3A_66 : memref<32x128xf32, #tpu.memory_space<vmem>>) offsets(%dma_start3A_68 : memref<32xi32, #tpu.memory_space<vmem>>) semaphore(%dma_start3A_73 : memref<!tpu.dma_semaphore, #tpu.memory_space<semaphore_mem>>)
    %dma_start3A_74 = arith.constant 6 : i32
    %dma_start3A_75 = arith.constant 192 : i32
    %dma_start3A_76 = arith.constant 0 : i32
    %dma_start3A_77 = tpu.memref_slice %arg6[%dma_start3A_75, %dma_start3A_76] : memref<512x128xf32, #tpu.memory_space<vmem>> -> memref<32x128xf32, #tpu.memory_space<vmem>>
    %dma_start3A_78 = arith.constant 192 : i32
    %dma_start3A_79 = tpu.memref_slice %arg5[%dma_start3A_78] : memref<512xi32, #tpu.memory_space<vmem>> -> memref<32xi32, #tpu.memory_space<vmem>>
    %dma_start3A_80 = arith.constant 0 : i32
    %dma_start3A_81 = arith.constant 0 : i32
    %dma_start3A_82 = tpu.memref_slice %arg7[%dma_start3A_80, %dma_start3A_81] : memref<1000x128xf32, #tpu.memory_space<vmem_shared>> -> memref<1000x128xf32, #tpu.memory_space<vmem_shared>>
    %dma_start3A_83 = tpu.memref_slice %arg8[%dma_start3A_74] : memref<16x!tpu.dma_semaphore, #tpu.memory_space<semaphore_mem>> -> memref<1x!tpu.dma_semaphore, #tpu.memory_space<semaphore_mem>>
    %dma_start3A_84 = tpu.memref_squeeze %dma_start3A_83 : memref<1x!tpu.dma_semaphore, #tpu.memory_space<semaphore_mem>> -> memref<!tpu.dma_semaphore, #tpu.memory_space<semaphore_mem>>
    tpu.enqueue_indirect_dma source(%dma_start3A_82 : memref<1000x128xf32, #tpu.memory_space<vmem_shared>>) target(%dma_start3A_77 : memref<32x128xf32, #tpu.memory_space<vmem>>) offsets(%dma_start3A_79 : memref<32xi32, #tpu.memory_space<vmem>>) semaphore(%dma_start3A_84 : memref<!tpu.dma_semaphore, #tpu.memory_space<semaphore_mem>>)
    %dma_start3A_85 = arith.constant 7 : i32
    %dma_start3A_86 = arith.constant 224 : i32
    %dma_start3A_87 = arith.constant 0 : i32
    %dma_start3A_88 = tpu.memref_slice %arg6[%dma_start3A_86, %dma_start3A_87] : memref<512x128xf32, #tpu.memory_space<vmem>> -> memref<32x128xf32, #tpu.memory_space<vmem>>
    %dma_start3A_89 = arith.constant 224 : i32
    %dma_start3A_90 = tpu.memref_slice %arg5[%dma_start3A_89] : memref<512xi32, #tpu.memory_space<vmem>> -> memref<32xi32, #tpu.memory_space<vmem>>
    %dma_start3A_91 = arith.constant 0 : i32
    %dma_start3A_92 = arith.constant 0 : i32
    %dma_start3A_93 = tpu.memref_slice %arg7[%dma_start3A_91, %dma_start3A_92] : memref<1000x128xf32, #tpu.memory_space<vmem_shared>> -> memref<1000x128xf32, #tpu.memory_space<vmem_shared>>
    %dma_start3A_94 = tpu.memref_slice %arg8[%dma_start3A_85] : memref<16x!tpu.dma_semaphore, #tpu.memory_space<semaphore_mem>> -> memref<1x!tpu.dma_semaphore, #tpu.memory_space<semaphore_mem>>
    %dma_start3A_95 = tpu.memref_squeeze %dma_start3A_94 : memref<1x!tpu.dma_semaphore, #tpu.memory_space<semaphore_mem>> -> memref<!tpu.dma_semaphore, #tpu.memory_space<semaphore_mem>>
    tpu.enqueue_indirect_dma source(%dma_start3A_93 : memref<1000x128xf32, #tpu.memory_space<vmem_shared>>) target(%dma_start3A_88 : memref<32x128xf32, #tpu.memory_space<vmem>>) offsets(%dma_start3A_90 : memref<32xi32, #tpu.memory_space<vmem>>) semaphore(%dma_start3A_95 : memref<!tpu.dma_semaphore, #tpu.memory_space<semaphore_mem>>)
    %dma_start3A_96 = arith.constant 8 : i32
    %dma_start3A_97 = arith.constant 256 : i32
    %dma_start3A_98 = arith.constant 0 : i32
    %dma_start3A_99 = tpu.memref_slice %arg6[%dma_start3A_97, %dma_start3A_98] : memref<512x128xf32, #tpu.memory_space<vmem>> -> memref<32x128xf32, #tpu.memory_space<vmem>>
    %dma_start3A_100 = arith.constant 256 : i32
    %dma_start3A_101 = tpu.memref_slice %arg5[%dma_start3A_100] : memref<512xi32, #tpu.memory_space<vmem>> -> memref<32xi32, #tpu.memory_space<vmem>>
    %dma_start3A_102 = arith.constant 0 : i32
    %dma_start3A_103 = arith.constant 0 : i32
    %dma_start3A_104 = tpu.memref_slice %arg7[%dma_start3A_102, %dma_start3A_103] : memref<1000x128xf32, #tpu.memory_space<vmem_shared>> -> memref<1000x128xf32, #tpu.memory_space<vmem_shared>>
    %dma_start3A_105 = tpu.memref_slice %arg8[%dma_start3A_96] : memref<16x!tpu.dma_semaphore, #tpu.memory_space<semaphore_mem>> -> memref<1x!tpu.dma_semaphore, #tpu.memory_space<semaphore_mem>>
    %dma_start3A_106 = tpu.memref_squeeze %dma_start3A_105 : memref<1x!tpu.dma_semaphore, #tpu.memory_space<semaphore_mem>> -> memref<!tpu.dma_semaphore, #tpu.memory_space<semaphore_mem>>
    tpu.enqueue_indirect_dma source(%dma_start3A_104 : memref<1000x128xf32, #tpu.memory_space<vmem_shared>>) target(%dma_start3A_99 : memref<32x128xf32, #tpu.memory_space<vmem>>) offsets(%dma_start3A_101 : memref<32xi32, #tpu.memory_space<vmem>>) semaphore(%dma_start3A_106 : memref<!tpu.dma_semaphore, #tpu.memory_space<semaphore_mem>>)
    %dma_start3A_107 = arith.constant 9 : i32
    %dma_start3A_108 = arith.constant 288 : i32
    %dma_start3A_109 = arith.constant 0 : i32
    %dma_start3A_110 = tpu.memref_slice %arg6[%dma_start3A_108, %dma_start3A_109] : memref<512x128xf32, #tpu.memory_space<vmem>> -> memref<32x128xf32, #tpu.memory_space<vmem>>
    %dma_start3A_111 = arith.constant 288 : i32
    %dma_start3A_112 = tpu.memref_slice %arg5[%dma_start3A_111] : memref<512xi32, #tpu.memory_space<vmem>> -> memref<32xi32, #tpu.memory_space<vmem>>
    %dma_start3A_113 = arith.constant 0 : i32
    %dma_start3A_114 = arith.constant 0 : i32
    %dma_start3A_115 = tpu.memref_slice %arg7[%dma_start3A_113, %dma_start3A_114] : memref<1000x128xf32, #tpu.memory_space<vmem_shared>> -> memref<1000x128xf32, #tpu.memory_space<vmem_shared>>
    %dma_start3A_116 = tpu.memref_slice %arg8[%dma_start3A_107] : memref<16x!tpu.dma_semaphore, #tpu.memory_space<semaphore_mem>> -> memref<1x!tpu.dma_semaphore, #tpu.memory_space<semaphore_mem>>
    %dma_start3A_117 = tpu.memref_squeeze %dma_start3A_116 : memref<1x!tpu.dma_semaphore, #tpu.memory_space<semaphore_mem>> -> memref<!tpu.dma_semaphore, #tpu.memory_space<semaphore_mem>>
    tpu.enqueue_indirect_dma source(%dma_start3A_115 : memref<1000x128xf32, #tpu.memory_space<vmem_shared>>) target(%dma_start3A_110 : memref<32x128xf32, #tpu.memory_space<vmem>>) offsets(%dma_start3A_112 : memref<32xi32, #tpu.memory_space<vmem>>) semaphore(%dma_start3A_117 : memref<!tpu.dma_semaphore, #tpu.memory_space<semaphore_mem>>)
    %dma_start3A_118 = arith.constant 10 : i32
    %dma_start3A_119 = arith.constant 320 : i32
    %dma_start3A_120 = arith.constant 0 : i32
    %dma_start3A_121 = tpu.memref_slice %arg6[%dma_start3A_119, %dma_start3A_120] : memref<512x128xf32, #tpu.memory_space<vmem>> -> memref<32x128xf32, #tpu.memory_space<vmem>>
    %dma_start3A_122 = arith.constant 320 : i32
    %dma_start3A_123 = tpu.memref_slice %arg5[%dma_start3A_122] : memref<512xi32, #tpu.memory_space<vmem>> -> memref<32xi32, #tpu.memory_space<vmem>>
    %dma_start3A_124 = arith.constant 0 : i32
    %dma_start3A_125 = arith.constant 0 : i32
    %dma_start3A_126 = tpu.memref_slice %arg7[%dma_start3A_124, %dma_start3A_125] : memref<1000x128xf32, #tpu.memory_space<vmem_shared>> -> memref<1000x128xf32, #tpu.memory_space<vmem_shared>>
    %dma_start3A_127 = tpu.memref_slice %arg8[%dma_start3A_118] : memref<16x!tpu.dma_semaphore, #tpu.memory_space<semaphore_mem>> -> memref<1x!tpu.dma_semaphore, #tpu.memory_space<semaphore_mem>>
    %dma_start3A_128 = tpu.memref_squeeze %dma_start3A_127 : memref<1x!tpu.dma_semaphore, #tpu.memory_space<semaphore_mem>> -> memref<!tpu.dma_semaphore, #tpu.memory_space<semaphore_mem>>
    tpu.enqueue_indirect_dma source(%dma_start3A_126 : memref<1000x128xf32, #tpu.memory_space<vmem_shared>>) target(%dma_start3A_121 : memref<32x128xf32, #tpu.memory_space<vmem>>) offsets(%dma_start3A_123 : memref<32xi32, #tpu.memory_space<vmem>>) semaphore(%dma_start3A_128 : memref<!tpu.dma_semaphore, #tpu.memory_space<semaphore_mem>>)
    %dma_start3A_129 = arith.constant 11 : i32
    %dma_start3A_130 = arith.constant 352 : i32
    %dma_start3A_131 = arith.constant 0 : i32
    %dma_start3A_132 = tpu.memref_slice %arg6[%dma_start3A_130, %dma_start3A_131] : memref<512x128xf32, #tpu.memory_space<vmem>> -> memref<32x128xf32, #tpu.memory_space<vmem>>
    %dma_start3A_133 = arith.constant 352 : i32
    %dma_start3A_134 = tpu.memref_slice %arg5[%dma_start3A_133] : memref<512xi32, #tpu.memory_space<vmem>> -> memref<32xi32, #tpu.memory_space<vmem>>
    %dma_start3A_135 = arith.constant 0 : i32
    %dma_start3A_136 = arith.constant 0 : i32
    %dma_start3A_137 = tpu.memref_slice %arg7[%dma_start3A_135, %dma_start3A_136] : memref<1000x128xf32, #tpu.memory_space<vmem_shared>> -> memref<1000x128xf32, #tpu.memory_space<vmem_shared>>
    %dma_start3A_138 = tpu.memref_slice %arg8[%dma_start3A_129] : memref<16x!tpu.dma_semaphore, #tpu.memory_space<semaphore_mem>> -> memref<1x!tpu.dma_semaphore, #tpu.memory_space<semaphore_mem>>
    %dma_start3A_139 = tpu.memref_squeeze %dma_start3A_138 : memref<1x!tpu.dma_semaphore, #tpu.memory_space<semaphore_mem>> -> memref<!tpu.dma_semaphore, #tpu.memory_space<semaphore_mem>>
    tpu.enqueue_indirect_dma source(%dma_start3A_137 : memref<1000x128xf32, #tpu.memory_space<vmem_shared>>) target(%dma_start3A_132 : memref<32x128xf32, #tpu.memory_space<vmem>>) offsets(%dma_start3A_134 : memref<32xi32, #tpu.memory_space<vmem>>) semaphore(%dma_start3A_139 : memref<!tpu.dma_semaphore, #tpu.memory_space<semaphore_mem>>)
    %dma_start3A_140 = arith.constant 12 : i32
    %dma_start3A_141 = arith.constant 384 : i32
    %dma_start3A_142 = arith.constant 0 : i32
    %dma_start3A_143 = tpu.memref_slice %arg6[%dma_start3A_141, %dma_start3A_142] : memref<512x128xf32, #tpu.memory_space<vmem>> -> memref<32x128xf32, #tpu.memory_space<vmem>>
    %dma_start3A_144 = arith.constant 384 : i32
    %dma_start3A_145 = tpu.memref_slice %arg5[%dma_start3A_144] : memref<512xi32, #tpu.memory_space<vmem>> -> memref<32xi32, #tpu.memory_space<vmem>>
    %dma_start3A_146 = arith.constant 0 : i32
    %dma_start3A_147 = arith.constant 0 : i32
    %dma_start3A_148 = tpu.memref_slice %arg7[%dma_start3A_146, %dma_start3A_147] : memref<1000x128xf32, #tpu.memory_space<vmem_shared>> -> memref<1000x128xf32, #tpu.memory_space<vmem_shared>>
    %dma_start3A_149 = tpu.memref_slice %arg8[%dma_start3A_140] : memref<16x!tpu.dma_semaphore, #tpu.memory_space<semaphore_mem>> -> memref<1x!tpu.dma_semaphore, #tpu.memory_space<semaphore_mem>>
    %dma_start3A_150 = tpu.memref_squeeze %dma_start3A_149 : memref<1x!tpu.dma_semaphore, #tpu.memory_space<semaphore_mem>> -> memref<!tpu.dma_semaphore, #tpu.memory_space<semaphore_mem>>
    tpu.enqueue_indirect_dma source(%dma_start3A_148 : memref<1000x128xf32, #tpu.memory_space<vmem_shared>>) target(%dma_start3A_143 : memref<32x128xf32, #tpu.memory_space<vmem>>) offsets(%dma_start3A_145 : memref<32xi32, #tpu.memory_space<vmem>>) semaphore(%dma_start3A_150 : memref<!tpu.dma_semaphore, #tpu.memory_space<semaphore_mem>>)
    %dma_start3A_151 = arith.constant 13 : i32
    %dma_start3A_152 = arith.constant 416 : i32
    %dma_start3A_153 = arith.constant 0 : i32
    %dma_start3A_154 = tpu.memref_slice %arg6[%dma_start3A_152, %dma_start3A_153] : memref<512x128xf32, #tpu.memory_space<vmem>> -> memref<32x128xf32, #tpu.memory_space<vmem>>
    %dma_start3A_155 = arith.constant 416 : i32
    %dma_start3A_156 = tpu.memref_slice %arg5[%dma_start3A_155] : memref<512xi32, #tpu.memory_space<vmem>> -> memref<32xi32, #tpu.memory_space<vmem>>
    %dma_start3A_157 = arith.constant 0 : i32
    %dma_start3A_158 = arith.constant 0 : i32
    %dma_start3A_159 = tpu.memref_slice %arg7[%dma_start3A_157, %dma_start3A_158] : memref<1000x128xf32, #tpu.memory_space<vmem_shared>> -> memref<1000x128xf32, #tpu.memory_space<vmem_shared>>
    %dma_start3A_160 = tpu.memref_slice %arg8[%dma_start3A_151] : memref<16x!tpu.dma_semaphore, #tpu.memory_space<semaphore_mem>> -> memref<1x!tpu.dma_semaphore, #tpu.memory_space<semaphore_mem>>
    %dma_start3A_161 = tpu.memref_squeeze %dma_start3A_160 : memref<1x!tpu.dma_semaphore, #tpu.memory_space<semaphore_mem>> -> memref<!tpu.dma_semaphore, #tpu.memory_space<semaphore_mem>>
    tpu.enqueue_indirect_dma source(%dma_start3A_159 : memref<1000x128xf32, #tpu.memory_space<vmem_shared>>) target(%dma_start3A_154 : memref<32x128xf32, #tpu.memory_space<vmem>>) offsets(%dma_start3A_156 : memref<32xi32, #tpu.memory_space<vmem>>) semaphore(%dma_start3A_161 : memref<!tpu.dma_semaphore, #tpu.memory_space<semaphore_mem>>)
    %dma_start3A_162 = arith.constant 14 : i32
    %dma_start3A_163 = arith.constant 448 : i32
    %dma_start3A_164 = arith.constant 0 : i32
    %dma_start3A_165 = tpu.memref_slice %arg6[%dma_start3A_163, %dma_start3A_164] : memref<512x128xf32, #tpu.memory_space<vmem>> -> memref<32x128xf32, #tpu.memory_space<vmem>>
    %dma_start3A_166 = arith.constant 448 : i32
    %dma_start3A_167 = tpu.memref_slice %arg5[%dma_start3A_166] : memref<512xi32, #tpu.memory_space<vmem>> -> memref<32xi32, #tpu.memory_space<vmem>>
    %dma_start3A_168 = arith.constant 0 : i32
    %dma_start3A_169 = arith.constant 0 : i32
    %dma_start3A_170 = tpu.memref_slice %arg7[%dma_start3A_168, %dma_start3A_169] : memref<1000x128xf32, #tpu.memory_space<vmem_shared>> -> memref<1000x128xf32, #tpu.memory_space<vmem_shared>>
    %dma_start3A_171 = tpu.memref_slice %arg8[%dma_start3A_162] : memref<16x!tpu.dma_semaphore, #tpu.memory_space<semaphore_mem>> -> memref<1x!tpu.dma_semaphore, #tpu.memory_space<semaphore_mem>>
    %dma_start3A_172 = tpu.memref_squeeze %dma_start3A_171 : memref<1x!tpu.dma_semaphore, #tpu.memory_space<semaphore_mem>> -> memref<!tpu.dma_semaphore, #tpu.memory_space<semaphore_mem>>
    tpu.enqueue_indirect_dma source(%dma_start3A_170 : memref<1000x128xf32, #tpu.memory_space<vmem_shared>>) target(%dma_start3A_165 : memref<32x128xf32, #tpu.memory_space<vmem>>) offsets(%dma_start3A_167 : memref<32xi32, #tpu.memory_space<vmem>>) semaphore(%dma_start3A_172 : memref<!tpu.dma_semaphore, #tpu.memory_space<semaphore_mem>>)
    %dma_start3A_173 = arith.constant 15 : i32
    %dma_start3A_174 = arith.constant 480 : i32
    %dma_start3A_175 = arith.constant 0 : i32
    %dma_start3A_176 = tpu.memref_slice %arg6[%dma_start3A_174, %dma_start3A_175] : memref<512x128xf32, #tpu.memory_space<vmem>> -> memref<32x128xf32, #tpu.memory_space<vmem>>
    %dma_start3A_177 = arith.constant 480 : i32
    %dma_start3A_178 = tpu.memref_slice %arg5[%dma_start3A_177] : memref<512xi32, #tpu.memory_space<vmem>> -> memref<32xi32, #tpu.memory_space<vmem>>
    %dma_start3A_179 = arith.constant 0 : i32
    %dma_start3A_180 = arith.constant 0 : i32
    %dma_start3A_181 = tpu.memref_slice %arg7[%dma_start3A_179, %dma_start3A_180] : memref<1000x128xf32, #tpu.memory_space<vmem_shared>> -> memref<1000x128xf32, #tpu.memory_space<vmem_shared>>
    %dma_start3A_182 = tpu.memref_slice %arg8[%dma_start3A_173] : memref<16x!tpu.dma_semaphore, #tpu.memory_space<semaphore_mem>> -> memref<1x!tpu.dma_semaphore, #tpu.memory_space<semaphore_mem>>
    %dma_start3A_183 = tpu.memref_squeeze %dma_start3A_182 : memref<1x!tpu.dma_semaphore, #tpu.memory_space<semaphore_mem>> -> memref<!tpu.dma_semaphore, #tpu.memory_space<semaphore_mem>>
    tpu.enqueue_indirect_dma source(%dma_start3A_181 : memref<1000x128xf32, #tpu.memory_space<vmem_shared>>) target(%dma_start3A_176 : memref<32x128xf32, #tpu.memory_space<vmem>>) offsets(%dma_start3A_178 : memref<32xi32, #tpu.memory_space<vmem>>) semaphore(%dma_start3A_183 : memref<!tpu.dma_semaphore, #tpu.memory_space<semaphore_mem>>)
    %dma_wait3A = arith.constant 0 : i32
    %dma_wait3A_184 = arith.constant 0 : i32
    %dma_wait3A_185 = arith.constant 0 : i32
    %dma_wait3A_186 = tpu.memref_slice %arg6[%dma_wait3A_184, %dma_wait3A_185] : memref<512x128xf32, #tpu.memory_space<vmem>> -> memref<32x128xf32, #tpu.memory_space<vmem>>
    %dma_wait3A_187 = arith.constant 0 : i32
    %dma_wait3A_188 = tpu.memref_slice %arg5[%dma_wait3A_187] : memref<512xi32, #tpu.memory_space<vmem>> -> memref<32xi32, #tpu.memory_space<vmem>>
    %dma_wait3A_189 = arith.constant 0 : i32
    %dma_wait3A_190 = arith.constant 0 : i32
    %dma_wait3A_191 = tpu.memref_slice %arg7[%dma_wait3A_189, %dma_wait3A_190] : memref<1000x128xf32, #tpu.memory_space<vmem_shared>> -> memref<1000x128xf32, #tpu.memory_space<vmem_shared>>
    %dma_wait3A_192 = tpu.memref_slice %arg8[%dma_wait3A] : memref<16x!tpu.dma_semaphore, #tpu.memory_space<semaphore_mem>> -> memref<1x!tpu.dma_semaphore, #tpu.memory_space<semaphore_mem>>
    %dma_wait3A_193 = tpu.memref_squeeze %dma_wait3A_192 : memref<1x!tpu.dma_semaphore, #tpu.memory_space<semaphore_mem>> -> memref<!tpu.dma_semaphore, #tpu.memory_space<semaphore_mem>>
    tpu.wait_indirect_dma semaphore(%dma_wait3A_193 : memref<!tpu.dma_semaphore, #tpu.memory_space<semaphore_mem>>) src(%dma_wait3A_191 : memref<1000x128xf32, #tpu.memory_space<vmem_shared>>) dst(%dma_wait3A_186 : memref<32x128xf32, #tpu.memory_space<vmem>>)
    %add3A_194 = arith.constant 0 : i32
    %add3A_195 = arith.addi %mul3A_2, %add3A_194 : i32
    %dma_start3A_196 = arith.constant 0 : i32
    %dma_start3A_197 = arith.constant 0 : i32
    %dma_start3A_198 = tpu.memref_slice %arg6[%dma_start3A_196, %dma_start3A_197] : memref<512x128xf32, #tpu.memory_space<vmem>> -> memref<32x128xf32, #tpu.memory_space<vmem>>
    %dma_start3A_199 = arith.constant 0 : i32
    %dma_start3A_200 = tpu.memref_slice %arg4[%add3A_195, %dma_start3A_199] : memref<16384x128xf32, #tpu.memory_space<hbm>> -> memref<32x128xf32, #tpu.memory_space<hbm>>
    %dma_start3A_201 = arith.constant 0 : i32
    %dma_start3A_202 = tpu.memref_slice %arg4[%add3A_195, %dma_start3A_201] : memref<16384x128xf32, #tpu.memory_space<hbm>> -> memref<32x128xf32, #tpu.memory_space<hbm>>
    %dma_start3A_203 = arith.constant 0 : i32
    %dma_start3A_204 = arith.constant 0 : i32
    %dma_start3A_205 = tpu.memref_slice %arg6[%dma_start3A_203, %dma_start3A_204] : memref<512x128xf32, #tpu.memory_space<vmem>> -> memref<32x128xf32, #tpu.memory_space<vmem>>
    tpu.enqueue_dma source(%dma_start3A_205 : memref<32x128xf32, #tpu.memory_space<vmem>>) target(%dma_start3A_202 : memref<32x128xf32, #tpu.memory_space<hbm>>) target_semaphore(%arg9 : memref<!tpu.dma_semaphore, #tpu.memory_space<semaphore_mem>>)
    %dma_wait3A_206 = arith.constant 1 : i32
    %dma_wait3A_207 = arith.constant 32 : i32
    %dma_wait3A_208 = arith.constant 0 : i32
    %dma_wait3A_209 = tpu.memref_slice %arg6[%dma_wait3A_207, %dma_wait3A_208] : memref<512x128xf32, #tpu.memory_space<vmem>> -> memref<32x128xf32, #tpu.memory_space<vmem>>
    %dma_wait3A_210 = arith.constant 32 : i32
    %dma_wait3A_211 = tpu.memref_slice %arg5[%dma_wait3A_210] : memref<512xi32, #tpu.memory_space<vmem>> -> memref<32xi32, #tpu.memory_space<vmem>>
    %dma_wait3A_212 = arith.constant 0 : i32
    %dma_wait3A_213 = arith.constant 0 : i32
    %dma_wait3A_214 = tpu.memref_slice %arg7[%dma_wait3A_212, %dma_wait3A_213] : memref<1000x128xf32, #tpu.memory_space<vmem_shared>> -> memref<1000x128xf32, #tpu.memory_space<vmem_shared>>
    %dma_wait3A_215 = tpu.memref_slice %arg8[%dma_wait3A_206] : memref<16x!tpu.dma_semaphore, #tpu.memory_space<semaphore_mem>> -> memref<1x!tpu.dma_semaphore, #tpu.memory_space<semaphore_mem>>
    %dma_wait3A_216 = tpu.memref_squeeze %dma_wait3A_215 : memref<1x!tpu.dma_semaphore, #tpu.memory_space<semaphore_mem>> -> memref<!tpu.dma_semaphore, #tpu.memory_space<semaphore_mem>>
    tpu.wait_indirect_dma semaphore(%dma_wait3A_216 : memref<!tpu.dma_semaphore, #tpu.memory_space<semaphore_mem>>) src(%dma_wait3A_214 : memref<1000x128xf32, #tpu.memory_space<vmem_shared>>) dst(%dma_wait3A_209 : memref<32x128xf32, #tpu.memory_space<vmem>>)
    %add3A_217 = arith.constant 32 : i32
    %add3A_218 = arith.addi %mul3A_2, %add3A_217 : i32
    %dma_start3A_219 = arith.constant 32 : i32
    %dma_start3A_220 = arith.constant 0 : i32
    %dma_start3A_221 = tpu.memref_slice %arg6[%dma_start3A_219, %dma_start3A_220] : memref<512x128xf32, #tpu.memory_space<vmem>> -> memref<32x128xf32, #tpu.memory_space<vmem>>
    %dma_start3A_222 = arith.constant 0 : i32
    %dma_start3A_223 = tpu.memref_slice %arg4[%add3A_218, %dma_start3A_222] : memref<16384x128xf32, #tpu.memory_space<hbm>> -> memref<32x128xf32, #tpu.memory_space<hbm>>
    %dma_start3A_224 = arith.constant 0 : i32
    %dma_start3A_225 = tpu.memref_slice %arg4[%add3A_218, %dma_start3A_224] : memref<16384x128xf32, #tpu.memory_space<hbm>> -> memref<32x128xf32, #tpu.memory_space<hbm>>
    %dma_start3A_226 = arith.constant 32 : i32
    %dma_start3A_227 = arith.constant 0 : i32
    %dma_start3A_228 = tpu.memref_slice %arg6[%dma_start3A_226, %dma_start3A_227] : memref<512x128xf32, #tpu.memory_space<vmem>> -> memref<32x128xf32, #tpu.memory_space<vmem>>
    tpu.enqueue_dma source(%dma_start3A_228 : memref<32x128xf32, #tpu.memory_space<vmem>>) target(%dma_start3A_225 : memref<32x128xf32, #tpu.memory_space<hbm>>) target_semaphore(%arg9 : memref<!tpu.dma_semaphore, #tpu.memory_space<semaphore_mem>>)
    %dma_wait3A_229 = arith.constant 2 : i32
    %dma_wait3A_230 = arith.constant 64 : i32
    %dma_wait3A_231 = arith.constant 0 : i32
    %dma_wait3A_232 = tpu.memref_slice %arg6[%dma_wait3A_230, %dma_wait3A_231] : memref<512x128xf32, #tpu.memory_space<vmem>> -> memref<32x128xf32, #tpu.memory_space<vmem>>
    %dma_wait3A_233 = arith.constant 64 : i32
    %dma_wait3A_234 = tpu.memref_slice %arg5[%dma_wait3A_233] : memref<512xi32, #tpu.memory_space<vmem>> -> memref<32xi32, #tpu.memory_space<vmem>>
    %dma_wait3A_235 = arith.constant 0 : i32
    %dma_wait3A_236 = arith.constant 0 : i32
    %dma_wait3A_237 = tpu.memref_slice %arg7[%dma_wait3A_235, %dma_wait3A_236] : memref<1000x128xf32, #tpu.memory_space<vmem_shared>> -> memref<1000x128xf32, #tpu.memory_space<vmem_shared>>
    %dma_wait3A_238 = tpu.memref_slice %arg8[%dma_wait3A_229] : memref<16x!tpu.dma_semaphore, #tpu.memory_space<semaphore_mem>> -> memref<1x!tpu.dma_semaphore, #tpu.memory_space<semaphore_mem>>
    %dma_wait3A_239 = tpu.memref_squeeze %dma_wait3A_238 : memref<1x!tpu.dma_semaphore, #tpu.memory_space<semaphore_mem>> -> memref<!tpu.dma_semaphore, #tpu.memory_space<semaphore_mem>>
    tpu.wait_indirect_dma semaphore(%dma_wait3A_239 : memref<!tpu.dma_semaphore, #tpu.memory_space<semaphore_mem>>) src(%dma_wait3A_237 : memref<1000x128xf32, #tpu.memory_space<vmem_shared>>) dst(%dma_wait3A_232 : memref<32x128xf32, #tpu.memory_space<vmem>>)
    %add3A_240 = arith.constant 64 : i32
    %add3A_241 = arith.addi %mul3A_2, %add3A_240 : i32
    %dma_start3A_242 = arith.constant 64 : i32
    %dma_start3A_243 = arith.constant 0 : i32
    %dma_start3A_244 = tpu.memref_slice %arg6[%dma_start3A_242, %dma_start3A_243] : memref<512x128xf32, #tpu.memory_space<vmem>> -> memref<32x128xf32, #tpu.memory_space<vmem>>
    %dma_start3A_245 = arith.constant 0 : i32
    %dma_start3A_246 = tpu.memref_slice %arg4[%add3A_241, %dma_start3A_245] : memref<16384x128xf32, #tpu.memory_space<hbm>> -> memref<32x128xf32, #tpu.memory_space<hbm>>
    %dma_start3A_247 = arith.constant 0 : i32
    %dma_start3A_248 = tpu.memref_slice %arg4[%add3A_241, %dma_start3A_247] : memref<16384x128xf32, #tpu.memory_space<hbm>> -> memref<32x128xf32, #tpu.memory_space<hbm>>
    %dma_start3A_249 = arith.constant 64 : i32
    %dma_start3A_250 = arith.constant 0 : i32
    %dma_start3A_251 = tpu.memref_slice %arg6[%dma_start3A_249, %dma_start3A_250] : memref<512x128xf32, #tpu.memory_space<vmem>> -> memref<32x128xf32, #tpu.memory_space<vmem>>
    tpu.enqueue_dma source(%dma_start3A_251 : memref<32x128xf32, #tpu.memory_space<vmem>>) target(%dma_start3A_248 : memref<32x128xf32, #tpu.memory_space<hbm>>) target_semaphore(%arg9 : memref<!tpu.dma_semaphore, #tpu.memory_space<semaphore_mem>>)
    %dma_wait3A_252 = arith.constant 3 : i32
    %dma_wait3A_253 = arith.constant 96 : i32
    %dma_wait3A_254 = arith.constant 0 : i32
    %dma_wait3A_255 = tpu.memref_slice %arg6[%dma_wait3A_253, %dma_wait3A_254] : memref<512x128xf32, #tpu.memory_space<vmem>> -> memref<32x128xf32, #tpu.memory_space<vmem>>
    %dma_wait3A_256 = arith.constant 96 : i32
    %dma_wait3A_257 = tpu.memref_slice %arg5[%dma_wait3A_256] : memref<512xi32, #tpu.memory_space<vmem>> -> memref<32xi32, #tpu.memory_space<vmem>>
    %dma_wait3A_258 = arith.constant 0 : i32
    %dma_wait3A_259 = arith.constant 0 : i32
    %dma_wait3A_260 = tpu.memref_slice %arg7[%dma_wait3A_258, %dma_wait3A_259] : memref<1000x128xf32, #tpu.memory_space<vmem_shared>> -> memref<1000x128xf32, #tpu.memory_space<vmem_shared>>
    %dma_wait3A_261 = tpu.memref_slice %arg8[%dma_wait3A_252] : memref<16x!tpu.dma_semaphore, #tpu.memory_space<semaphore_mem>> -> memref<1x!tpu.dma_semaphore, #tpu.memory_space<semaphore_mem>>
    %dma_wait3A_262 = tpu.memref_squeeze %dma_wait3A_261 : memref<1x!tpu.dma_semaphore, #tpu.memory_space<semaphore_mem>> -> memref<!tpu.dma_semaphore, #tpu.memory_space<semaphore_mem>>
    tpu.wait_indirect_dma semaphore(%dma_wait3A_262 : memref<!tpu.dma_semaphore, #tpu.memory_space<semaphore_mem>>) src(%dma_wait3A_260 : memref<1000x128xf32, #tpu.memory_space<vmem_shared>>) dst(%dma_wait3A_255 : memref<32x128xf32, #tpu.memory_space<vmem>>)
    %add3A_263 = arith.constant 96 : i32
    %add3A_264 = arith.addi %mul3A_2, %add3A_263 : i32
    %dma_start3A_265 = arith.constant 96 : i32
    %dma_start3A_266 = arith.constant 0 : i32
    %dma_start3A_267 = tpu.memref_slice %arg6[%dma_start3A_265, %dma_start3A_266] : memref<512x128xf32, #tpu.memory_space<vmem>> -> memref<32x128xf32, #tpu.memory_space<vmem>>
    %dma_start3A_268 = arith.constant 0 : i32
    %dma_start3A_269 = tpu.memref_slice %arg4[%add3A_264, %dma_start3A_268] : memref<16384x128xf32, #tpu.memory_space<hbm>> -> memref<32x128xf32, #tpu.memory_space<hbm>>
    %dma_start3A_270 = arith.constant 0 : i32
    %dma_start3A_271 = tpu.memref_slice %arg4[%add3A_264, %dma_start3A_270] : memref<16384x128xf32, #tpu.memory_space<hbm>> -> memref<32x128xf32, #tpu.memory_space<hbm>>
    %dma_start3A_272 = arith.constant 96 : i32
    %dma_start3A_273 = arith.constant 0 : i32
    %dma_start3A_274 = tpu.memref_slice %arg6[%dma_start3A_272, %dma_start3A_273] : memref<512x128xf32, #tpu.memory_space<vmem>> -> memref<32x128xf32, #tpu.memory_space<vmem>>
    tpu.enqueue_dma source(%dma_start3A_274 : memref<32x128xf32, #tpu.memory_space<vmem>>) target(%dma_start3A_271 : memref<32x128xf32, #tpu.memory_space<hbm>>) target_semaphore(%arg9 : memref<!tpu.dma_semaphore, #tpu.memory_space<semaphore_mem>>)
    %dma_wait3A_275 = arith.constant 4 : i32
    %dma_wait3A_276 = arith.constant 128 : i32
    %dma_wait3A_277 = arith.constant 0 : i32
    %dma_wait3A_278 = tpu.memref_slice %arg6[%dma_wait3A_276, %dma_wait3A_277] : memref<512x128xf32, #tpu.memory_space<vmem>> -> memref<32x128xf32, #tpu.memory_space<vmem>>
    %dma_wait3A_279 = arith.constant 128 : i32
    %dma_wait3A_280 = tpu.memref_slice %arg5[%dma_wait3A_279] : memref<512xi32, #tpu.memory_space<vmem>> -> memref<32xi32, #tpu.memory_space<vmem>>
    %dma_wait3A_281 = arith.constant 0 : i32
    %dma_wait3A_282 = arith.constant 0 : i32
    %dma_wait3A_283 = tpu.memref_slice %arg7[%dma_wait3A_281, %dma_wait3A_282] : memref<1000x128xf32, #tpu.memory_space<vmem_shared>> -> memref<1000x128xf32, #tpu.memory_space<vmem_shared>>
    %dma_wait3A_284 = tpu.memref_slice %arg8[%dma_wait3A_275] : memref<16x!tpu.dma_semaphore, #tpu.memory_space<semaphore_mem>> -> memref<1x!tpu.dma_semaphore, #tpu.memory_space<semaphore_mem>>
    %dma_wait3A_285 = tpu.memref_squeeze %dma_wait3A_284 : memref<1x!tpu.dma_semaphore, #tpu.memory_space<semaphore_mem>> -> memref<!tpu.dma_semaphore, #tpu.memory_space<semaphore_mem>>
    tpu.wait_indirect_dma semaphore(%dma_wait3A_285 : memref<!tpu.dma_semaphore, #tpu.memory_space<semaphore_mem>>) src(%dma_wait3A_283 : memref<1000x128xf32, #tpu.memory_space<vmem_shared>>) dst(%dma_wait3A_278 : memref<32x128xf32, #tpu.memory_space<vmem>>)
    %add3A_286 = arith.constant 128 : i32
    %add3A_287 = arith.addi %mul3A_2, %add3A_286 : i32
    %dma_start3A_288 = arith.constant 128 : i32
    %dma_start3A_289 = arith.constant 0 : i32
    %dma_start3A_290 = tpu.memref_slice %arg6[%dma_start3A_288, %dma_start3A_289] : memref<512x128xf32, #tpu.memory_space<vmem>> -> memref<32x128xf32, #tpu.memory_space<vmem>>
    %dma_start3A_291 = arith.constant 0 : i32
    %dma_start3A_292 = tpu.memref_slice %arg4[%add3A_287, %dma_start3A_291] : memref<16384x128xf32, #tpu.memory_space<hbm>> -> memref<32x128xf32, #tpu.memory_space<hbm>>
    %dma_start3A_293 = arith.constant 0 : i32
    %dma_start3A_294 = tpu.memref_slice %arg4[%add3A_287, %dma_start3A_293] : memref<16384x128xf32, #tpu.memory_space<hbm>> -> memref<32x128xf32, #tpu.memory_space<hbm>>
    %dma_start3A_295 = arith.constant 128 : i32
    %dma_start3A_296 = arith.constant 0 : i32
    %dma_start3A_297 = tpu.memref_slice %arg6[%dma_start3A_295, %dma_start3A_296] : memref<512x128xf32, #tpu.memory_space<vmem>> -> memref<32x128xf32, #tpu.memory_space<vmem>>
    tpu.enqueue_dma source(%dma_start3A_297 : memref<32x128xf32, #tpu.memory_space<vmem>>) target(%dma_start3A_294 : memref<32x128xf32, #tpu.memory_space<hbm>>) target_semaphore(%arg9 : memref<!tpu.dma_semaphore, #tpu.memory_space<semaphore_mem>>)
    %dma_wait3A_298 = arith.constant 5 : i32
    %dma_wait3A_299 = arith.constant 160 : i32
    %dma_wait3A_300 = arith.constant 0 : i32
    %dma_wait3A_301 = tpu.memref_slice %arg6[%dma_wait3A_299, %dma_wait3A_300] : memref<512x128xf32, #tpu.memory_space<vmem>> -> memref<32x128xf32, #tpu.memory_space<vmem>>
    %dma_wait3A_302 = arith.constant 160 : i32
    %dma_wait3A_303 = tpu.memref_slice %arg5[%dma_wait3A_302] : memref<512xi32, #tpu.memory_space<vmem>> -> memref<32xi32, #tpu.memory_space<vmem>>
    %dma_wait3A_304 = arith.constant 0 : i32
    %dma_wait3A_305 = arith.constant 0 : i32
    %dma_wait3A_306 = tpu.memref_slice %arg7[%dma_wait3A_304, %dma_wait3A_305] : memref<1000x128xf32, #tpu.memory_space<vmem_shared>> -> memref<1000x128xf32, #tpu.memory_space<vmem_shared>>
    %dma_wait3A_307 = tpu.memref_slice %arg8[%dma_wait3A_298] : memref<16x!tpu.dma_semaphore, #tpu.memory_space<semaphore_mem>> -> memref<1x!tpu.dma_semaphore, #tpu.memory_space<semaphore_mem>>
    %dma_wait3A_308 = tpu.memref_squeeze %dma_wait3A_307 : memref<1x!tpu.dma_semaphore, #tpu.memory_space<semaphore_mem>> -> memref<!tpu.dma_semaphore, #tpu.memory_space<semaphore_mem>>
    tpu.wait_indirect_dma semaphore(%dma_wait3A_308 : memref<!tpu.dma_semaphore, #tpu.memory_space<semaphore_mem>>) src(%dma_wait3A_306 : memref<1000x128xf32, #tpu.memory_space<vmem_shared>>) dst(%dma_wait3A_301 : memref<32x128xf32, #tpu.memory_space<vmem>>)
    %add3A_309 = arith.constant 160 : i32
    %add3A_310 = arith.addi %mul3A_2, %add3A_309 : i32
    %dma_start3A_311 = arith.constant 160 : i32
    %dma_start3A_312 = arith.constant 0 : i32
    %dma_start3A_313 = tpu.memref_slice %arg6[%dma_start3A_311, %dma_start3A_312] : memref<512x128xf32, #tpu.memory_space<vmem>> -> memref<32x128xf32, #tpu.memory_space<vmem>>
    %dma_start3A_314 = arith.constant 0 : i32
    %dma_start3A_315 = tpu.memref_slice %arg4[%add3A_310, %dma_start3A_314] : memref<16384x128xf32, #tpu.memory_space<hbm>> -> memref<32x128xf32, #tpu.memory_space<hbm>>
    %dma_start3A_316 = arith.constant 0 : i32
    %dma_start3A_317 = tpu.memref_slice %arg4[%add3A_310, %dma_start3A_316] : memref<16384x128xf32, #tpu.memory_space<hbm>> -> memref<32x128xf32, #tpu.memory_space<hbm>>
    %dma_start3A_318 = arith.constant 160 : i32
    %dma_start3A_319 = arith.constant 0 : i32
    %dma_start3A_320 = tpu.memref_slice %arg6[%dma_start3A_318, %dma_start3A_319] : memref<512x128xf32, #tpu.memory_space<vmem>> -> memref<32x128xf32, #tpu.memory_space<vmem>>
    tpu.enqueue_dma source(%dma_start3A_320 : memref<32x128xf32, #tpu.memory_space<vmem>>) target(%dma_start3A_317 : memref<32x128xf32, #tpu.memory_space<hbm>>) target_semaphore(%arg9 : memref<!tpu.dma_semaphore, #tpu.memory_space<semaphore_mem>>)
    %dma_wait3A_321 = arith.constant 6 : i32
    %dma_wait3A_322 = arith.constant 192 : i32
    %dma_wait3A_323 = arith.constant 0 : i32
    %dma_wait3A_324 = tpu.memref_slice %arg6[%dma_wait3A_322, %dma_wait3A_323] : memref<512x128xf32, #tpu.memory_space<vmem>> -> memref<32x128xf32, #tpu.memory_space<vmem>>
    %dma_wait3A_325 = arith.constant 192 : i32
    %dma_wait3A_326 = tpu.memref_slice %arg5[%dma_wait3A_325] : memref<512xi32, #tpu.memory_space<vmem>> -> memref<32xi32, #tpu.memory_space<vmem>>
    %dma_wait3A_327 = arith.constant 0 : i32
    %dma_wait3A_328 = arith.constant 0 : i32
    %dma_wait3A_329 = tpu.memref_slice %arg7[%dma_wait3A_327, %dma_wait3A_328] : memref<1000x128xf32, #tpu.memory_space<vmem_shared>> -> memref<1000x128xf32, #tpu.memory_space<vmem_shared>>
    %dma_wait3A_330 = tpu.memref_slice %arg8[%dma_wait3A_321] : memref<16x!tpu.dma_semaphore, #tpu.memory_space<semaphore_mem>> -> memref<1x!tpu.dma_semaphore, #tpu.memory_space<semaphore_mem>>
    %dma_wait3A_331 = tpu.memref_squeeze %dma_wait3A_330 : memref<1x!tpu.dma_semaphore, #tpu.memory_space<semaphore_mem>> -> memref<!tpu.dma_semaphore, #tpu.memory_space<semaphore_mem>>
    tpu.wait_indirect_dma semaphore(%dma_wait3A_331 : memref<!tpu.dma_semaphore, #tpu.memory_space<semaphore_mem>>) src(%dma_wait3A_329 : memref<1000x128xf32, #tpu.memory_space<vmem_shared>>) dst(%dma_wait3A_324 : memref<32x128xf32, #tpu.memory_space<vmem>>)
    %add3A_332 = arith.constant 192 : i32
    %add3A_333 = arith.addi %mul3A_2, %add3A_332 : i32
    %dma_start3A_334 = arith.constant 192 : i32
    %dma_start3A_335 = arith.constant 0 : i32
    %dma_start3A_336 = tpu.memref_slice %arg6[%dma_start3A_334, %dma_start3A_335] : memref<512x128xf32, #tpu.memory_space<vmem>> -> memref<32x128xf32, #tpu.memory_space<vmem>>
    %dma_start3A_337 = arith.constant 0 : i32
    %dma_start3A_338 = tpu.memref_slice %arg4[%add3A_333, %dma_start3A_337] : memref<16384x128xf32, #tpu.memory_space<hbm>> -> memref<32x128xf32, #tpu.memory_space<hbm>>
    %dma_start3A_339 = arith.constant 0 : i32
    %dma_start3A_340 = tpu.memref_slice %arg4[%add3A_333, %dma_start3A_339] : memref<16384x128xf32, #tpu.memory_space<hbm>> -> memref<32x128xf32, #tpu.memory_space<hbm>>
    %dma_start3A_341 = arith.constant 192 : i32
    %dma_start3A_342 = arith.constant 0 : i32
    %dma_start3A_343 = tpu.memref_slice %arg6[%dma_start3A_341, %dma_start3A_342] : memref<512x128xf32, #tpu.memory_space<vmem>> -> memref<32x128xf32, #tpu.memory_space<vmem>>
    tpu.enqueue_dma source(%dma_start3A_343 : memref<32x128xf32, #tpu.memory_space<vmem>>) target(%dma_start3A_340 : memref<32x128xf32, #tpu.memory_space<hbm>>) target_semaphore(%arg9 : memref<!tpu.dma_semaphore, #tpu.memory_space<semaphore_mem>>)
    %dma_wait3A_344 = arith.constant 7 : i32
    %dma_wait3A_345 = arith.constant 224 : i32
    %dma_wait3A_346 = arith.constant 0 : i32
    %dma_wait3A_347 = tpu.memref_slice %arg6[%dma_wait3A_345, %dma_wait3A_346] : memref<512x128xf32, #tpu.memory_space<vmem>> -> memref<32x128xf32, #tpu.memory_space<vmem>>
    %dma_wait3A_348 = arith.constant 224 : i32
    %dma_wait3A_349 = tpu.memref_slice %arg5[%dma_wait3A_348] : memref<512xi32, #tpu.memory_space<vmem>> -> memref<32xi32, #tpu.memory_space<vmem>>
    %dma_wait3A_350 = arith.constant 0 : i32
    %dma_wait3A_351 = arith.constant 0 : i32
    %dma_wait3A_352 = tpu.memref_slice %arg7[%dma_wait3A_350, %dma_wait3A_351] : memref<1000x128xf32, #tpu.memory_space<vmem_shared>> -> memref<1000x128xf32, #tpu.memory_space<vmem_shared>>
    %dma_wait3A_353 = tpu.memref_slice %arg8[%dma_wait3A_344] : memref<16x!tpu.dma_semaphore, #tpu.memory_space<semaphore_mem>> -> memref<1x!tpu.dma_semaphore, #tpu.memory_space<semaphore_mem>>
    %dma_wait3A_354 = tpu.memref_squeeze %dma_wait3A_353 : memref<1x!tpu.dma_semaphore, #tpu.memory_space<semaphore_mem>> -> memref<!tpu.dma_semaphore, #tpu.memory_space<semaphore_mem>>
    tpu.wait_indirect_dma semaphore(%dma_wait3A_354 : memref<!tpu.dma_semaphore, #tpu.memory_space<semaphore_mem>>) src(%dma_wait3A_352 : memref<1000x128xf32, #tpu.memory_space<vmem_shared>>) dst(%dma_wait3A_347 : memref<32x128xf32, #tpu.memory_space<vmem>>)
    %add3A_355 = arith.constant 224 : i32
    %add3A_356 = arith.addi %mul3A_2, %add3A_355 : i32
    %dma_start3A_357 = arith.constant 224 : i32
    %dma_start3A_358 = arith.constant 0 : i32
    %dma_start3A_359 = tpu.memref_slice %arg6[%dma_start3A_357, %dma_start3A_358] : memref<512x128xf32, #tpu.memory_space<vmem>> -> memref<32x128xf32, #tpu.memory_space<vmem>>
    %dma_start3A_360 = arith.constant 0 : i32
    %dma_start3A_361 = tpu.memref_slice %arg4[%add3A_356, %dma_start3A_360] : memref<16384x128xf32, #tpu.memory_space<hbm>> -> memref<32x128xf32, #tpu.memory_space<hbm>>
    %dma_start3A_362 = arith.constant 0 : i32
    %dma_start3A_363 = tpu.memref_slice %arg4[%add3A_356, %dma_start3A_362] : memref<16384x128xf32, #tpu.memory_space<hbm>> -> memref<32x128xf32, #tpu.memory_space<hbm>>
    %dma_start3A_364 = arith.constant 224 : i32
    %dma_start3A_365 = arith.constant 0 : i32
    %dma_start3A_366 = tpu.memref_slice %arg6[%dma_start3A_364, %dma_start3A_365] : memref<512x128xf32, #tpu.memory_space<vmem>> -> memref<32x128xf32, #tpu.memory_space<vmem>>
    tpu.enqueue_dma source(%dma_start3A_366 : memref<32x128xf32, #tpu.memory_space<vmem>>) target(%dma_start3A_363 : memref<32x128xf32, #tpu.memory_space<hbm>>) target_semaphore(%arg9 : memref<!tpu.dma_semaphore, #tpu.memory_space<semaphore_mem>>)
    %dma_wait3A_367 = arith.constant 8 : i32
    %dma_wait3A_368 = arith.constant 256 : i32
    %dma_wait3A_369 = arith.constant 0 : i32
    %dma_wait3A_370 = tpu.memref_slice %arg6[%dma_wait3A_368, %dma_wait3A_369] : memref<512x128xf32, #tpu.memory_space<vmem>> -> memref<32x128xf32, #tpu.memory_space<vmem>>
    %dma_wait3A_371 = arith.constant 256 : i32
    %dma_wait3A_372 = tpu.memref_slice %arg5[%dma_wait3A_371] : memref<512xi32, #tpu.memory_space<vmem>> -> memref<32xi32, #tpu.memory_space<vmem>>
    %dma_wait3A_373 = arith.constant 0 : i32
    %dma_wait3A_374 = arith.constant 0 : i32
    %dma_wait3A_375 = tpu.memref_slice %arg7[%dma_wait3A_373, %dma_wait3A_374] : memref<1000x128xf32, #tpu.memory_space<vmem_shared>> -> memref<1000x128xf32, #tpu.memory_space<vmem_shared>>
    %dma_wait3A_376 = tpu.memref_slice %arg8[%dma_wait3A_367] : memref<16x!tpu.dma_semaphore, #tpu.memory_space<semaphore_mem>> -> memref<1x!tpu.dma_semaphore, #tpu.memory_space<semaphore_mem>>
    %dma_wait3A_377 = tpu.memref_squeeze %dma_wait3A_376 : memref<1x!tpu.dma_semaphore, #tpu.memory_space<semaphore_mem>> -> memref<!tpu.dma_semaphore, #tpu.memory_space<semaphore_mem>>
    tpu.wait_indirect_dma semaphore(%dma_wait3A_377 : memref<!tpu.dma_semaphore, #tpu.memory_space<semaphore_mem>>) src(%dma_wait3A_375 : memref<1000x128xf32, #tpu.memory_space<vmem_shared>>) dst(%dma_wait3A_370 : memref<32x128xf32, #tpu.memory_space<vmem>>)
    %add3A_378 = arith.constant 256 : i32
    %add3A_379 = arith.addi %mul3A_2, %add3A_378 : i32
    %dma_start3A_380 = arith.constant 256 : i32
    %dma_start3A_381 = arith.constant 0 : i32
    %dma_start3A_382 = tpu.memref_slice %arg6[%dma_start3A_380, %dma_start3A_381] : memref<512x128xf32, #tpu.memory_space<vmem>> -> memref<32x128xf32, #tpu.memory_space<vmem>>
    %dma_start3A_383 = arith.constant 0 : i32
    %dma_start3A_384 = tpu.memref_slice %arg4[%add3A_379, %dma_start3A_383] : memref<16384x128xf32, #tpu.memory_space<hbm>> -> memref<32x128xf32, #tpu.memory_space<hbm>>
    %dma_start3A_385 = arith.constant 0 : i32
    %dma_start3A_386 = tpu.memref_slice %arg4[%add3A_379, %dma_start3A_385] : memref<16384x128xf32, #tpu.memory_space<hbm>> -> memref<32x128xf32, #tpu.memory_space<hbm>>
    %dma_start3A_387 = arith.constant 256 : i32
    %dma_start3A_388 = arith.constant 0 : i32
    %dma_start3A_389 = tpu.memref_slice %arg6[%dma_start3A_387, %dma_start3A_388] : memref<512x128xf32, #tpu.memory_space<vmem>> -> memref<32x128xf32, #tpu.memory_space<vmem>>
    tpu.enqueue_dma source(%dma_start3A_389 : memref<32x128xf32, #tpu.memory_space<vmem>>) target(%dma_start3A_386 : memref<32x128xf32, #tpu.memory_space<hbm>>) target_semaphore(%arg9 : memref<!tpu.dma_semaphore, #tpu.memory_space<semaphore_mem>>)
    %dma_wait3A_390 = arith.constant 9 : i32
    %dma_wait3A_391 = arith.constant 288 : i32
    %dma_wait3A_392 = arith.constant 0 : i32
    %dma_wait3A_393 = tpu.memref_slice %arg6[%dma_wait3A_391, %dma_wait3A_392] : memref<512x128xf32, #tpu.memory_space<vmem>> -> memref<32x128xf32, #tpu.memory_space<vmem>>
    %dma_wait3A_394 = arith.constant 288 : i32
    %dma_wait3A_395 = tpu.memref_slice %arg5[%dma_wait3A_394] : memref<512xi32, #tpu.memory_space<vmem>> -> memref<32xi32, #tpu.memory_space<vmem>>
    %dma_wait3A_396 = arith.constant 0 : i32
    %dma_wait3A_397 = arith.constant 0 : i32
    %dma_wait3A_398 = tpu.memref_slice %arg7[%dma_wait3A_396, %dma_wait3A_397] : memref<1000x128xf32, #tpu.memory_space<vmem_shared>> -> memref<1000x128xf32, #tpu.memory_space<vmem_shared>>
    %dma_wait3A_399 = tpu.memref_slice %arg8[%dma_wait3A_390] : memref<16x!tpu.dma_semaphore, #tpu.memory_space<semaphore_mem>> -> memref<1x!tpu.dma_semaphore, #tpu.memory_space<semaphore_mem>>
    %dma_wait3A_400 = tpu.memref_squeeze %dma_wait3A_399 : memref<1x!tpu.dma_semaphore, #tpu.memory_space<semaphore_mem>> -> memref<!tpu.dma_semaphore, #tpu.memory_space<semaphore_mem>>
    tpu.wait_indirect_dma semaphore(%dma_wait3A_400 : memref<!tpu.dma_semaphore, #tpu.memory_space<semaphore_mem>>) src(%dma_wait3A_398 : memref<1000x128xf32, #tpu.memory_space<vmem_shared>>) dst(%dma_wait3A_393 : memref<32x128xf32, #tpu.memory_space<vmem>>)
    %add3A_401 = arith.constant 288 : i32
    %add3A_402 = arith.addi %mul3A_2, %add3A_401 : i32
    %dma_start3A_403 = arith.constant 288 : i32
    %dma_start3A_404 = arith.constant 0 : i32
    %dma_start3A_405 = tpu.memref_slice %arg6[%dma_start3A_403, %dma_start3A_404] : memref<512x128xf32, #tpu.memory_space<vmem>> -> memref<32x128xf32, #tpu.memory_space<vmem>>
    %dma_start3A_406 = arith.constant 0 : i32
    %dma_start3A_407 = tpu.memref_slice %arg4[%add3A_402, %dma_start3A_406] : memref<16384x128xf32, #tpu.memory_space<hbm>> -> memref<32x128xf32, #tpu.memory_space<hbm>>
    %dma_start3A_408 = arith.constant 0 : i32
    %dma_start3A_409 = tpu.memref_slice %arg4[%add3A_402, %dma_start3A_408] : memref<16384x128xf32, #tpu.memory_space<hbm>> -> memref<32x128xf32, #tpu.memory_space<hbm>>
    %dma_start3A_410 = arith.constant 288 : i32
    %dma_start3A_411 = arith.constant 0 : i32
    %dma_start3A_412 = tpu.memref_slice %arg6[%dma_start3A_410, %dma_start3A_411] : memref<512x128xf32, #tpu.memory_space<vmem>> -> memref<32x128xf32, #tpu.memory_space<vmem>>
    tpu.enqueue_dma source(%dma_start3A_412 : memref<32x128xf32, #tpu.memory_space<vmem>>) target(%dma_start3A_409 : memref<32x128xf32, #tpu.memory_space<hbm>>) target_semaphore(%arg9 : memref<!tpu.dma_semaphore, #tpu.memory_space<semaphore_mem>>)
    %dma_wait3A_413 = arith.constant 10 : i32
    %dma_wait3A_414 = arith.constant 320 : i32
    %dma_wait3A_415 = arith.constant 0 : i32
    %dma_wait3A_416 = tpu.memref_slice %arg6[%dma_wait3A_414, %dma_wait3A_415] : memref<512x128xf32, #tpu.memory_space<vmem>> -> memref<32x128xf32, #tpu.memory_space<vmem>>
    %dma_wait3A_417 = arith.constant 320 : i32
    %dma_wait3A_418 = tpu.memref_slice %arg5[%dma_wait3A_417] : memref<512xi32, #tpu.memory_space<vmem>> -> memref<32xi32, #tpu.memory_space<vmem>>
    %dma_wait3A_419 = arith.constant 0 : i32
    %dma_wait3A_420 = arith.constant 0 : i32
    %dma_wait3A_421 = tpu.memref_slice %arg7[%dma_wait3A_419, %dma_wait3A_420] : memref<1000x128xf32, #tpu.memory_space<vmem_shared>> -> memref<1000x128xf32, #tpu.memory_space<vmem_shared>>
    %dma_wait3A_422 = tpu.memref_slice %arg8[%dma_wait3A_413] : memref<16x!tpu.dma_semaphore, #tpu.memory_space<semaphore_mem>> -> memref<1x!tpu.dma_semaphore, #tpu.memory_space<semaphore_mem>>
    %dma_wait3A_423 = tpu.memref_squeeze %dma_wait3A_422 : memref<1x!tpu.dma_semaphore, #tpu.memory_space<semaphore_mem>> -> memref<!tpu.dma_semaphore, #tpu.memory_space<semaphore_mem>>
    tpu.wait_indirect_dma semaphore(%dma_wait3A_423 : memref<!tpu.dma_semaphore, #tpu.memory_space<semaphore_mem>>) src(%dma_wait3A_421 : memref<1000x128xf32, #tpu.memory_space<vmem_shared>>) dst(%dma_wait3A_416 : memref<32x128xf32, #tpu.memory_space<vmem>>)
    %add3A_424 = arith.constant 320 : i32
    %add3A_425 = arith.addi %mul3A_2, %add3A_424 : i32
    %dma_start3A_426 = arith.constant 320 : i32
    %dma_start3A_427 = arith.constant 0 : i32
    %dma_start3A_428 = tpu.memref_slice %arg6[%dma_start3A_426, %dma_start3A_427] : memref<512x128xf32, #tpu.memory_space<vmem>> -> memref<32x128xf32, #tpu.memory_space<vmem>>
    %dma_start3A_429 = arith.constant 0 : i32
    %dma_start3A_430 = tpu.memref_slice %arg4[%add3A_425, %dma_start3A_429] : memref<16384x128xf32, #tpu.memory_space<hbm>> -> memref<32x128xf32, #tpu.memory_space<hbm>>
    %dma_start3A_431 = arith.constant 0 : i32
    %dma_start3A_432 = tpu.memref_slice %arg4[%add3A_425, %dma_start3A_431] : memref<16384x128xf32, #tpu.memory_space<hbm>> -> memref<32x128xf32, #tpu.memory_space<hbm>>
    %dma_start3A_433 = arith.constant 320 : i32
    %dma_start3A_434 = arith.constant 0 : i32
    %dma_start3A_435 = tpu.memref_slice %arg6[%dma_start3A_433, %dma_start3A_434] : memref<512x128xf32, #tpu.memory_space<vmem>> -> memref<32x128xf32, #tpu.memory_space<vmem>>
    tpu.enqueue_dma source(%dma_start3A_435 : memref<32x128xf32, #tpu.memory_space<vmem>>) target(%dma_start3A_432 : memref<32x128xf32, #tpu.memory_space<hbm>>) target_semaphore(%arg9 : memref<!tpu.dma_semaphore, #tpu.memory_space<semaphore_mem>>)
    %dma_wait3A_436 = arith.constant 11 : i32
    %dma_wait3A_437 = arith.constant 352 : i32
    %dma_wait3A_438 = arith.constant 0 : i32
    %dma_wait3A_439 = tpu.memref_slice %arg6[%dma_wait3A_437, %dma_wait3A_438] : memref<512x128xf32, #tpu.memory_space<vmem>> -> memref<32x128xf32, #tpu.memory_space<vmem>>
    %dma_wait3A_440 = arith.constant 352 : i32
    %dma_wait3A_441 = tpu.memref_slice %arg5[%dma_wait3A_440] : memref<512xi32, #tpu.memory_space<vmem>> -> memref<32xi32, #tpu.memory_space<vmem>>
    %dma_wait3A_442 = arith.constant 0 : i32
    %dma_wait3A_443 = arith.constant 0 : i32
    %dma_wait3A_444 = tpu.memref_slice %arg7[%dma_wait3A_442, %dma_wait3A_443] : memref<1000x128xf32, #tpu.memory_space<vmem_shared>> -> memref<1000x128xf32, #tpu.memory_space<vmem_shared>>
    %dma_wait3A_445 = tpu.memref_slice %arg8[%dma_wait3A_436] : memref<16x!tpu.dma_semaphore, #tpu.memory_space<semaphore_mem>> -> memref<1x!tpu.dma_semaphore, #tpu.memory_space<semaphore_mem>>
    %dma_wait3A_446 = tpu.memref_squeeze %dma_wait3A_445 : memref<1x!tpu.dma_semaphore, #tpu.memory_space<semaphore_mem>> -> memref<!tpu.dma_semaphore, #tpu.memory_space<semaphore_mem>>
    tpu.wait_indirect_dma semaphore(%dma_wait3A_446 : memref<!tpu.dma_semaphore, #tpu.memory_space<semaphore_mem>>) src(%dma_wait3A_444 : memref<1000x128xf32, #tpu.memory_space<vmem_shared>>) dst(%dma_wait3A_439 : memref<32x128xf32, #tpu.memory_space<vmem>>)
    %add3A_447 = arith.constant 352 : i32
    %add3A_448 = arith.addi %mul3A_2, %add3A_447 : i32
    %dma_start3A_449 = arith.constant 352 : i32
    %dma_start3A_450 = arith.constant 0 : i32
    %dma_start3A_451 = tpu.memref_slice %arg6[%dma_start3A_449, %dma_start3A_450] : memref<512x128xf32, #tpu.memory_space<vmem>> -> memref<32x128xf32, #tpu.memory_space<vmem>>
    %dma_start3A_452 = arith.constant 0 : i32
    %dma_start3A_453 = tpu.memref_slice %arg4[%add3A_448, %dma_start3A_452] : memref<16384x128xf32, #tpu.memory_space<hbm>> -> memref<32x128xf32, #tpu.memory_space<hbm>>
    %dma_start3A_454 = arith.constant 0 : i32
    %dma_start3A_455 = tpu.memref_slice %arg4[%add3A_448, %dma_start3A_454] : memref<16384x128xf32, #tpu.memory_space<hbm>> -> memref<32x128xf32, #tpu.memory_space<hbm>>
    %dma_start3A_456 = arith.constant 352 : i32
    %dma_start3A_457 = arith.constant 0 : i32
    %dma_start3A_458 = tpu.memref_slice %arg6[%dma_start3A_456, %dma_start3A_457] : memref<512x128xf32, #tpu.memory_space<vmem>> -> memref<32x128xf32, #tpu.memory_space<vmem>>
    tpu.enqueue_dma source(%dma_start3A_458 : memref<32x128xf32, #tpu.memory_space<vmem>>) target(%dma_start3A_455 : memref<32x128xf32, #tpu.memory_space<hbm>>) target_semaphore(%arg9 : memref<!tpu.dma_semaphore, #tpu.memory_space<semaphore_mem>>)
    %dma_wait3A_459 = arith.constant 12 : i32
    %dma_wait3A_460 = arith.constant 384 : i32
    %dma_wait3A_461 = arith.constant 0 : i32
    %dma_wait3A_462 = tpu.memref_slice %arg6[%dma_wait3A_460, %dma_wait3A_461] : memref<512x128xf32, #tpu.memory_space<vmem>> -> memref<32x128xf32, #tpu.memory_space<vmem>>
    %dma_wait3A_463 = arith.constant 384 : i32
    %dma_wait3A_464 = tpu.memref_slice %arg5[%dma_wait3A_463] : memref<512xi32, #tpu.memory_space<vmem>> -> memref<32xi32, #tpu.memory_space<vmem>>
    %dma_wait3A_465 = arith.constant 0 : i32
    %dma_wait3A_466 = arith.constant 0 : i32
    %dma_wait3A_467 = tpu.memref_slice %arg7[%dma_wait3A_465, %dma_wait3A_466] : memref<1000x128xf32, #tpu.memory_space<vmem_shared>> -> memref<1000x128xf32, #tpu.memory_space<vmem_shared>>
    %dma_wait3A_468 = tpu.memref_slice %arg8[%dma_wait3A_459] : memref<16x!tpu.dma_semaphore, #tpu.memory_space<semaphore_mem>> -> memref<1x!tpu.dma_semaphore, #tpu.memory_space<semaphore_mem>>
    %dma_wait3A_469 = tpu.memref_squeeze %dma_wait3A_468 : memref<1x!tpu.dma_semaphore, #tpu.memory_space<semaphore_mem>> -> memref<!tpu.dma_semaphore, #tpu.memory_space<semaphore_mem>>
    tpu.wait_indirect_dma semaphore(%dma_wait3A_469 : memref<!tpu.dma_semaphore, #tpu.memory_space<semaphore_mem>>) src(%dma_wait3A_467 : memref<1000x128xf32, #tpu.memory_space<vmem_shared>>) dst(%dma_wait3A_462 : memref<32x128xf32, #tpu.memory_space<vmem>>)
    %add3A_470 = arith.constant 384 : i32
    %add3A_471 = arith.addi %mul3A_2, %add3A_470 : i32
    %dma_start3A_472 = arith.constant 384 : i32
    %dma_start3A_473 = arith.constant 0 : i32
    %dma_start3A_474 = tpu.memref_slice %arg6[%dma_start3A_472, %dma_start3A_473] : memref<512x128xf32, #tpu.memory_space<vmem>> -> memref<32x128xf32, #tpu.memory_space<vmem>>
    %dma_start3A_475 = arith.constant 0 : i32
    %dma_start3A_476 = tpu.memref_slice %arg4[%add3A_471, %dma_start3A_475] : memref<16384x128xf32, #tpu.memory_space<hbm>> -> memref<32x128xf32, #tpu.memory_space<hbm>>
    %dma_start3A_477 = arith.constant 0 : i32
    %dma_start3A_478 = tpu.memref_slice %arg4[%add3A_471, %dma_start3A_477] : memref<16384x128xf32, #tpu.memory_space<hbm>> -> memref<32x128xf32, #tpu.memory_space<hbm>>
    %dma_start3A_479 = arith.constant 384 : i32
    %dma_start3A_480 = arith.constant 0 : i32
    %dma_start3A_481 = tpu.memref_slice %arg6[%dma_start3A_479, %dma_start3A_480] : memref<512x128xf32, #tpu.memory_space<vmem>> -> memref<32x128xf32, #tpu.memory_space<vmem>>
    tpu.enqueue_dma source(%dma_start3A_481 : memref<32x128xf32, #tpu.memory_space<vmem>>) target(%dma_start3A_478 : memref<32x128xf32, #tpu.memory_space<hbm>>) target_semaphore(%arg9 : memref<!tpu.dma_semaphore, #tpu.memory_space<semaphore_mem>>)
    %dma_wait3A_482 = arith.constant 13 : i32
    %dma_wait3A_483 = arith.constant 416 : i32
    %dma_wait3A_484 = arith.constant 0 : i32
    %dma_wait3A_485 = tpu.memref_slice %arg6[%dma_wait3A_483, %dma_wait3A_484] : memref<512x128xf32, #tpu.memory_space<vmem>> -> memref<32x128xf32, #tpu.memory_space<vmem>>
    %dma_wait3A_486 = arith.constant 416 : i32
    %dma_wait3A_487 = tpu.memref_slice %arg5[%dma_wait3A_486] : memref<512xi32, #tpu.memory_space<vmem>> -> memref<32xi32, #tpu.memory_space<vmem>>
    %dma_wait3A_488 = arith.constant 0 : i32
    %dma_wait3A_489 = arith.constant 0 : i32
    %dma_wait3A_490 = tpu.memref_slice %arg7[%dma_wait3A_488, %dma_wait3A_489] : memref<1000x128xf32, #tpu.memory_space<vmem_shared>> -> memref<1000x128xf32, #tpu.memory_space<vmem_shared>>
    %dma_wait3A_491 = tpu.memref_slice %arg8[%dma_wait3A_482] : memref<16x!tpu.dma_semaphore, #tpu.memory_space<semaphore_mem>> -> memref<1x!tpu.dma_semaphore, #tpu.memory_space<semaphore_mem>>
    %dma_wait3A_492 = tpu.memref_squeeze %dma_wait3A_491 : memref<1x!tpu.dma_semaphore, #tpu.memory_space<semaphore_mem>> -> memref<!tpu.dma_semaphore, #tpu.memory_space<semaphore_mem>>
    tpu.wait_indirect_dma semaphore(%dma_wait3A_492 : memref<!tpu.dma_semaphore, #tpu.memory_space<semaphore_mem>>) src(%dma_wait3A_490 : memref<1000x128xf32, #tpu.memory_space<vmem_shared>>) dst(%dma_wait3A_485 : memref<32x128xf32, #tpu.memory_space<vmem>>)
    %add3A_493 = arith.constant 416 : i32
    %add3A_494 = arith.addi %mul3A_2, %add3A_493 : i32
    %dma_start3A_495 = arith.constant 416 : i32
    %dma_start3A_496 = arith.constant 0 : i32
    %dma_start3A_497 = tpu.memref_slice %arg6[%dma_start3A_495, %dma_start3A_496] : memref<512x128xf32, #tpu.memory_space<vmem>> -> memref<32x128xf32, #tpu.memory_space<vmem>>
    %dma_start3A_498 = arith.constant 0 : i32
    %dma_start3A_499 = tpu.memref_slice %arg4[%add3A_494, %dma_start3A_498] : memref<16384x128xf32, #tpu.memory_space<hbm>> -> memref<32x128xf32, #tpu.memory_space<hbm>>
    %dma_start3A_500 = arith.constant 0 : i32
    %dma_start3A_501 = tpu.memref_slice %arg4[%add3A_494, %dma_start3A_500] : memref<16384x128xf32, #tpu.memory_space<hbm>> -> memref<32x128xf32, #tpu.memory_space<hbm>>
    %dma_start3A_502 = arith.constant 416 : i32
    %dma_start3A_503 = arith.constant 0 : i32
    %dma_start3A_504 = tpu.memref_slice %arg6[%dma_start3A_502, %dma_start3A_503] : memref<512x128xf32, #tpu.memory_space<vmem>> -> memref<32x128xf32, #tpu.memory_space<vmem>>
    tpu.enqueue_dma source(%dma_start3A_504 : memref<32x128xf32, #tpu.memory_space<vmem>>) target(%dma_start3A_501 : memref<32x128xf32, #tpu.memory_space<hbm>>) target_semaphore(%arg9 : memref<!tpu.dma_semaphore, #tpu.memory_space<semaphore_mem>>)
    %dma_wait3A_505 = arith.constant 14 : i32
    %dma_wait3A_506 = arith.constant 448 : i32
    %dma_wait3A_507 = arith.constant 0 : i32
    %dma_wait3A_508 = tpu.memref_slice %arg6[%dma_wait3A_506, %dma_wait3A_507] : memref<512x128xf32, #tpu.memory_space<vmem>> -> memref<32x128xf32, #tpu.memory_space<vmem>>
    %dma_wait3A_509 = arith.constant 448 : i32
    %dma_wait3A_510 = tpu.memref_slice %arg5[%dma_wait3A_509] : memref<512xi32, #tpu.memory_space<vmem>> -> memref<32xi32, #tpu.memory_space<vmem>>
    %dma_wait3A_511 = arith.constant 0 : i32
    %dma_wait3A_512 = arith.constant 0 : i32
    %dma_wait3A_513 = tpu.memref_slice %arg7[%dma_wait3A_511, %dma_wait3A_512] : memref<1000x128xf32, #tpu.memory_space<vmem_shared>> -> memref<1000x128xf32, #tpu.memory_space<vmem_shared>>
    %dma_wait3A_514 = tpu.memref_slice %arg8[%dma_wait3A_505] : memref<16x!tpu.dma_semaphore, #tpu.memory_space<semaphore_mem>> -> memref<1x!tpu.dma_semaphore, #tpu.memory_space<semaphore_mem>>
    %dma_wait3A_515 = tpu.memref_squeeze %dma_wait3A_514 : memref<1x!tpu.dma_semaphore, #tpu.memory_space<semaphore_mem>> -> memref<!tpu.dma_semaphore, #tpu.memory_space<semaphore_mem>>
    tpu.wait_indirect_dma semaphore(%dma_wait3A_515 : memref<!tpu.dma_semaphore, #tpu.memory_space<semaphore_mem>>) src(%dma_wait3A_513 : memref<1000x128xf32, #tpu.memory_space<vmem_shared>>) dst(%dma_wait3A_508 : memref<32x128xf32, #tpu.memory_space<vmem>>)
    %add3A_516 = arith.constant 448 : i32
    %add3A_517 = arith.addi %mul3A_2, %add3A_516 : i32
    %dma_start3A_518 = arith.constant 448 : i32
    %dma_start3A_519 = arith.constant 0 : i32
    %dma_start3A_520 = tpu.memref_slice %arg6[%dma_start3A_518, %dma_start3A_519] : memref<512x128xf32, #tpu.memory_space<vmem>> -> memref<32x128xf32, #tpu.memory_space<vmem>>
    %dma_start3A_521 = arith.constant 0 : i32
    %dma_start3A_522 = tpu.memref_slice %arg4[%add3A_517, %dma_start3A_521] : memref<16384x128xf32, #tpu.memory_space<hbm>> -> memref<32x128xf32, #tpu.memory_space<hbm>>
    %dma_start3A_523 = arith.constant 0 : i32
    %dma_start3A_524 = tpu.memref_slice %arg4[%add3A_517, %dma_start3A_523] : memref<16384x128xf32, #tpu.memory_space<hbm>> -> memref<32x128xf32, #tpu.memory_space<hbm>>
    %dma_start3A_525 = arith.constant 448 : i32
    %dma_start3A_526 = arith.constant 0 : i32
    %dma_start3A_527 = tpu.memref_slice %arg6[%dma_start3A_525, %dma_start3A_526] : memref<512x128xf32, #tpu.memory_space<vmem>> -> memref<32x128xf32, #tpu.memory_space<vmem>>
    tpu.enqueue_dma source(%dma_start3A_527 : memref<32x128xf32, #tpu.memory_space<vmem>>) target(%dma_start3A_524 : memref<32x128xf32, #tpu.memory_space<hbm>>) target_semaphore(%arg9 : memref<!tpu.dma_semaphore, #tpu.memory_space<semaphore_mem>>)
    %dma_wait3A_528 = arith.constant 15 : i32
    %dma_wait3A_529 = arith.constant 480 : i32
    %dma_wait3A_530 = arith.constant 0 : i32
    %dma_wait3A_531 = tpu.memref_slice %arg6[%dma_wait3A_529, %dma_wait3A_530] : memref<512x128xf32, #tpu.memory_space<vmem>> -> memref<32x128xf32, #tpu.memory_space<vmem>>
    %dma_wait3A_532 = arith.constant 480 : i32
    %dma_wait3A_533 = tpu.memref_slice %arg5[%dma_wait3A_532] : memref<512xi32, #tpu.memory_space<vmem>> -> memref<32xi32, #tpu.memory_space<vmem>>
    %dma_wait3A_534 = arith.constant 0 : i32
    %dma_wait3A_535 = arith.constant 0 : i32
    %dma_wait3A_536 = tpu.memref_slice %arg7[%dma_wait3A_534, %dma_wait3A_535] : memref<1000x128xf32, #tpu.memory_space<vmem_shared>> -> memref<1000x128xf32, #tpu.memory_space<vmem_shared>>
    %dma_wait3A_537 = tpu.memref_slice %arg8[%dma_wait3A_528] : memref<16x!tpu.dma_semaphore, #tpu.memory_space<semaphore_mem>> -> memref<1x!tpu.dma_semaphore, #tpu.memory_space<semaphore_mem>>
    %dma_wait3A_538 = tpu.memref_squeeze %dma_wait3A_537 : memref<1x!tpu.dma_semaphore, #tpu.memory_space<semaphore_mem>> -> memref<!tpu.dma_semaphore, #tpu.memory_space<semaphore_mem>>
    tpu.wait_indirect_dma semaphore(%dma_wait3A_538 : memref<!tpu.dma_semaphore, #tpu.memory_space<semaphore_mem>>) src(%dma_wait3A_536 : memref<1000x128xf32, #tpu.memory_space<vmem_shared>>) dst(%dma_wait3A_531 : memref<32x128xf32, #tpu.memory_space<vmem>>)
    %add3A_539 = arith.constant 480 : i32
    %add3A_540 = arith.addi %mul3A_2, %add3A_539 : i32
    %dma_start3A_541 = arith.constant 480 : i32
    %dma_start3A_542 = arith.constant 0 : i32
    %dma_start3A_543 = tpu.memref_slice %arg6[%dma_start3A_541, %dma_start3A_542] : memref<512x128xf32, #tpu.memory_space<vmem>> -> memref<32x128xf32, #tpu.memory_space<vmem>>
    %dma_start3A_544 = arith.constant 0 : i32
    %dma_start3A_545 = tpu.memref_slice %arg4[%add3A_540, %dma_start3A_544] : memref<16384x128xf32, #tpu.memory_space<hbm>> -> memref<32x128xf32, #tpu.memory_space<hbm>>
    %dma_start3A_546 = arith.constant 0 : i32
    %dma_start3A_547 = tpu.memref_slice %arg4[%add3A_540, %dma_start3A_546] : memref<16384x128xf32, #tpu.memory_space<hbm>> -> memref<32x128xf32, #tpu.memory_space<hbm>>
    %dma_start3A_548 = arith.constant 480 : i32
    %dma_start3A_549 = arith.constant 0 : i32
    %dma_start3A_550 = tpu.memref_slice %arg6[%dma_start3A_548, %dma_start3A_549] : memref<512x128xf32, #tpu.memory_space<vmem>> -> memref<32x128xf32, #tpu.memory_space<vmem>>
    tpu.enqueue_dma source(%dma_start3A_550 : memref<32x128xf32, #tpu.memory_space<vmem>>) target(%dma_start3A_547 : memref<32x128xf32, #tpu.memory_space<hbm>>) target_semaphore(%arg9 : memref<!tpu.dma_semaphore, #tpu.memory_space<semaphore_mem>>)
    %dma_wait3A_551 = arith.constant 0 : i32
    %dma_wait3A_552 = arith.constant 0 : i32
    %dma_wait3A_553 = tpu.memref_slice %arg6[%dma_wait3A_551, %dma_wait3A_552] : memref<512x128xf32, #tpu.memory_space<vmem>> -> memref<32x128xf32, #tpu.memory_space<vmem>>
    %dma_wait3A_554 = arith.constant 0 : i32
    %dma_wait3A_555 = tpu.memref_slice %arg4[%add3A_195, %dma_wait3A_554] : memref<16384x128xf32, #tpu.memory_space<hbm>> -> memref<32x128xf32, #tpu.memory_space<hbm>>
    %dma_wait3A_556 = arith.constant 0 : i32
    %dma_wait3A_557 = tpu.memref_slice %arg4[%add3A_195, %dma_wait3A_556] : memref<16384x128xf32, #tpu.memory_space<hbm>> -> memref<32x128xf32, #tpu.memory_space<hbm>>
    %dma_wait3A_558 = arith.constant 0 : i32
    %dma_wait3A_559 = arith.constant 0 : i32
    %dma_wait3A_560 = tpu.memref_slice %arg6[%dma_wait3A_558, %dma_wait3A_559] : memref<512x128xf32, #tpu.memory_space<vmem>> -> memref<32x128xf32, #tpu.memory_space<vmem>>
    tpu.wait_dma2 semaphore(%arg9 : memref<!tpu.dma_semaphore, #tpu.memory_space<semaphore_mem>>) src(%dma_wait3A_560 : memref<32x128xf32, #tpu.memory_space<vmem>>) dst(%dma_wait3A_557 : memref<32x128xf32, #tpu.memory_space<hbm>>)
    %dma_wait3A_561 = arith.constant 32 : i32
    %dma_wait3A_562 = arith.constant 0 : i32
    %dma_wait3A_563 = tpu.memref_slice %arg6[%dma_wait3A_561, %dma_wait3A_562] : memref<512x128xf32, #tpu.memory_space<vmem>> -> memref<32x128xf32, #tpu.memory_space<vmem>>
    %dma_wait3A_564 = arith.constant 0 : i32
    %dma_wait3A_565 = tpu.memref_slice %arg4[%add3A_218, %dma_wait3A_564] : memref<16384x128xf32, #tpu.memory_space<hbm>> -> memref<32x128xf32, #tpu.memory_space<hbm>>
    %dma_wait3A_566 = arith.constant 0 : i32
    %dma_wait3A_567 = tpu.memref_slice %arg4[%add3A_218, %dma_wait3A_566] : memref<16384x128xf32, #tpu.memory_space<hbm>> -> memref<32x128xf32, #tpu.memory_space<hbm>>
    %dma_wait3A_568 = arith.constant 32 : i32
    %dma_wait3A_569 = arith.constant 0 : i32
    %dma_wait3A_570 = tpu.memref_slice %arg6[%dma_wait3A_568, %dma_wait3A_569] : memref<512x128xf32, #tpu.memory_space<vmem>> -> memref<32x128xf32, #tpu.memory_space<vmem>>
    tpu.wait_dma2 semaphore(%arg9 : memref<!tpu.dma_semaphore, #tpu.memory_space<semaphore_mem>>) src(%dma_wait3A_570 : memref<32x128xf32, #tpu.memory_space<vmem>>) dst(%dma_wait3A_567 : memref<32x128xf32, #tpu.memory_space<hbm>>)
    %dma_wait3A_571 = arith.constant 64 : i32
    %dma_wait3A_572 = arith.constant 0 : i32
    %dma_wait3A_573 = tpu.memref_slice %arg6[%dma_wait3A_571, %dma_wait3A_572] : memref<512x128xf32, #tpu.memory_space<vmem>> -> memref<32x128xf32, #tpu.memory_space<vmem>>
    %dma_wait3A_574 = arith.constant 0 : i32
    %dma_wait3A_575 = tpu.memref_slice %arg4[%add3A_241, %dma_wait3A_574] : memref<16384x128xf32, #tpu.memory_space<hbm>> -> memref<32x128xf32, #tpu.memory_space<hbm>>
    %dma_wait3A_576 = arith.constant 0 : i32
    %dma_wait3A_577 = tpu.memref_slice %arg4[%add3A_241, %dma_wait3A_576] : memref<16384x128xf32, #tpu.memory_space<hbm>> -> memref<32x128xf32, #tpu.memory_space<hbm>>
    %dma_wait3A_578 = arith.constant 64 : i32
    %dma_wait3A_579 = arith.constant 0 : i32
    %dma_wait3A_580 = tpu.memref_slice %arg6[%dma_wait3A_578, %dma_wait3A_579] : memref<512x128xf32, #tpu.memory_space<vmem>> -> memref<32x128xf32, #tpu.memory_space<vmem>>
    tpu.wait_dma2 semaphore(%arg9 : memref<!tpu.dma_semaphore, #tpu.memory_space<semaphore_mem>>) src(%dma_wait3A_580 : memref<32x128xf32, #tpu.memory_space<vmem>>) dst(%dma_wait3A_577 : memref<32x128xf32, #tpu.memory_space<hbm>>)
    %dma_wait3A_581 = arith.constant 96 : i32
    %dma_wait3A_582 = arith.constant 0 : i32
    %dma_wait3A_583 = tpu.memref_slice %arg6[%dma_wait3A_581, %dma_wait3A_582] : memref<512x128xf32, #tpu.memory_space<vmem>> -> memref<32x128xf32, #tpu.memory_space<vmem>>
    %dma_wait3A_584 = arith.constant 0 : i32
    %dma_wait3A_585 = tpu.memref_slice %arg4[%add3A_264, %dma_wait3A_584] : memref<16384x128xf32, #tpu.memory_space<hbm>> -> memref<32x128xf32, #tpu.memory_space<hbm>>
    %dma_wait3A_586 = arith.constant 0 : i32
    %dma_wait3A_587 = tpu.memref_slice %arg4[%add3A_264, %dma_wait3A_586] : memref<16384x128xf32, #tpu.memory_space<hbm>> -> memref<32x128xf32, #tpu.memory_space<hbm>>
    %dma_wait3A_588 = arith.constant 96 : i32
    %dma_wait3A_589 = arith.constant 0 : i32
    %dma_wait3A_590 = tpu.memref_slice %arg6[%dma_wait3A_588, %dma_wait3A_589] : memref<512x128xf32, #tpu.memory_space<vmem>> -> memref<32x128xf32, #tpu.memory_space<vmem>>
    tpu.wait_dma2 semaphore(%arg9 : memref<!tpu.dma_semaphore, #tpu.memory_space<semaphore_mem>>) src(%dma_wait3A_590 : memref<32x128xf32, #tpu.memory_space<vmem>>) dst(%dma_wait3A_587 : memref<32x128xf32, #tpu.memory_space<hbm>>)
    %dma_wait3A_591 = arith.constant 128 : i32
    %dma_wait3A_592 = arith.constant 0 : i32
    %dma_wait3A_593 = tpu.memref_slice %arg6[%dma_wait3A_591, %dma_wait3A_592] : memref<512x128xf32, #tpu.memory_space<vmem>> -> memref<32x128xf32, #tpu.memory_space<vmem>>
    %dma_wait3A_594 = arith.constant 0 : i32
    %dma_wait3A_595 = tpu.memref_slice %arg4[%add3A_287, %dma_wait3A_594] : memref<16384x128xf32, #tpu.memory_space<hbm>> -> memref<32x128xf32, #tpu.memory_space<hbm>>
    %dma_wait3A_596 = arith.constant 0 : i32
    %dma_wait3A_597 = tpu.memref_slice %arg4[%add3A_287, %dma_wait3A_596] : memref<16384x128xf32, #tpu.memory_space<hbm>> -> memref<32x128xf32, #tpu.memory_space<hbm>>
    %dma_wait3A_598 = arith.constant 128 : i32
    %dma_wait3A_599 = arith.constant 0 : i32
    %dma_wait3A_600 = tpu.memref_slice %arg6[%dma_wait3A_598, %dma_wait3A_599] : memref<512x128xf32, #tpu.memory_space<vmem>> -> memref<32x128xf32, #tpu.memory_space<vmem>>
    tpu.wait_dma2 semaphore(%arg9 : memref<!tpu.dma_semaphore, #tpu.memory_space<semaphore_mem>>) src(%dma_wait3A_600 : memref<32x128xf32, #tpu.memory_space<vmem>>) dst(%dma_wait3A_597 : memref<32x128xf32, #tpu.memory_space<hbm>>)
    %dma_wait3A_601 = arith.constant 160 : i32
    %dma_wait3A_602 = arith.constant 0 : i32
    %dma_wait3A_603 = tpu.memref_slice %arg6[%dma_wait3A_601, %dma_wait3A_602] : memref<512x128xf32, #tpu.memory_space<vmem>> -> memref<32x128xf32, #tpu.memory_space<vmem>>
    %dma_wait3A_604 = arith.constant 0 : i32
    %dma_wait3A_605 = tpu.memref_slice %arg4[%add3A_310, %dma_wait3A_604] : memref<16384x128xf32, #tpu.memory_space<hbm>> -> memref<32x128xf32, #tpu.memory_space<hbm>>
    %dma_wait3A_606 = arith.constant 0 : i32
    %dma_wait3A_607 = tpu.memref_slice %arg4[%add3A_310, %dma_wait3A_606] : memref<16384x128xf32, #tpu.memory_space<hbm>> -> memref<32x128xf32, #tpu.memory_space<hbm>>
    %dma_wait3A_608 = arith.constant 160 : i32
    %dma_wait3A_609 = arith.constant 0 : i32
    %dma_wait3A_610 = tpu.memref_slice %arg6[%dma_wait3A_608, %dma_wait3A_609] : memref<512x128xf32, #tpu.memory_space<vmem>> -> memref<32x128xf32, #tpu.memory_space<vmem>>
    tpu.wait_dma2 semaphore(%arg9 : memref<!tpu.dma_semaphore, #tpu.memory_space<semaphore_mem>>) src(%dma_wait3A_610 : memref<32x128xf32, #tpu.memory_space<vmem>>) dst(%dma_wait3A_607 : memref<32x128xf32, #tpu.memory_space<hbm>>)
    %dma_wait3A_611 = arith.constant 192 : i32
    %dma_wait3A_612 = arith.constant 0 : i32
    %dma_wait3A_613 = tpu.memref_slice %arg6[%dma_wait3A_611, %dma_wait3A_612] : memref<512x128xf32, #tpu.memory_space<vmem>> -> memref<32x128xf32, #tpu.memory_space<vmem>>
    %dma_wait3A_614 = arith.constant 0 : i32
    %dma_wait3A_615 = tpu.memref_slice %arg4[%add3A_333, %dma_wait3A_614] : memref<16384x128xf32, #tpu.memory_space<hbm>> -> memref<32x128xf32, #tpu.memory_space<hbm>>
    %dma_wait3A_616 = arith.constant 0 : i32
    %dma_wait3A_617 = tpu.memref_slice %arg4[%add3A_333, %dma_wait3A_616] : memref<16384x128xf32, #tpu.memory_space<hbm>> -> memref<32x128xf32, #tpu.memory_space<hbm>>
    %dma_wait3A_618 = arith.constant 192 : i32
    %dma_wait3A_619 = arith.constant 0 : i32
    %dma_wait3A_620 = tpu.memref_slice %arg6[%dma_wait3A_618, %dma_wait3A_619] : memref<512x128xf32, #tpu.memory_space<vmem>> -> memref<32x128xf32, #tpu.memory_space<vmem>>
    tpu.wait_dma2 semaphore(%arg9 : memref<!tpu.dma_semaphore, #tpu.memory_space<semaphore_mem>>) src(%dma_wait3A_620 : memref<32x128xf32, #tpu.memory_space<vmem>>) dst(%dma_wait3A_617 : memref<32x128xf32, #tpu.memory_space<hbm>>)
    %dma_wait3A_621 = arith.constant 224 : i32
    %dma_wait3A_622 = arith.constant 0 : i32
    %dma_wait3A_623 = tpu.memref_slice %arg6[%dma_wait3A_621, %dma_wait3A_622] : memref<512x128xf32, #tpu.memory_space<vmem>> -> memref<32x128xf32, #tpu.memory_space<vmem>>
    %dma_wait3A_624 = arith.constant 0 : i32
    %dma_wait3A_625 = tpu.memref_slice %arg4[%add3A_356, %dma_wait3A_624] : memref<16384x128xf32, #tpu.memory_space<hbm>> -> memref<32x128xf32, #tpu.memory_space<hbm>>
    %dma_wait3A_626 = arith.constant 0 : i32
    %dma_wait3A_627 = tpu.memref_slice %arg4[%add3A_356, %dma_wait3A_626] : memref<16384x128xf32, #tpu.memory_space<hbm>> -> memref<32x128xf32, #tpu.memory_space<hbm>>
    %dma_wait3A_628 = arith.constant 224 : i32
    %dma_wait3A_629 = arith.constant 0 : i32
    %dma_wait3A_630 = tpu.memref_slice %arg6[%dma_wait3A_628, %dma_wait3A_629] : memref<512x128xf32, #tpu.memory_space<vmem>> -> memref<32x128xf32, #tpu.memory_space<vmem>>
    tpu.wait_dma2 semaphore(%arg9 : memref<!tpu.dma_semaphore, #tpu.memory_space<semaphore_mem>>) src(%dma_wait3A_630 : memref<32x128xf32, #tpu.memory_space<vmem>>) dst(%dma_wait3A_627 : memref<32x128xf32, #tpu.memory_space<hbm>>)
    %dma_wait3A_631 = arith.constant 256 : i32
    %dma_wait3A_632 = arith.constant 0 : i32
    %dma_wait3A_633 = tpu.memref_slice %arg6[%dma_wait3A_631, %dma_wait3A_632] : memref<512x128xf32, #tpu.memory_space<vmem>> -> memref<32x128xf32, #tpu.memory_space<vmem>>
    %dma_wait3A_634 = arith.constant 0 : i32
    %dma_wait3A_635 = tpu.memref_slice %arg4[%add3A_379, %dma_wait3A_634] : memref<16384x128xf32, #tpu.memory_space<hbm>> -> memref<32x128xf32, #tpu.memory_space<hbm>>
    %dma_wait3A_636 = arith.constant 0 : i32
    %dma_wait3A_637 = tpu.memref_slice %arg4[%add3A_379, %dma_wait3A_636] : memref<16384x128xf32, #tpu.memory_space<hbm>> -> memref<32x128xf32, #tpu.memory_space<hbm>>
    %dma_wait3A_638 = arith.constant 256 : i32
    %dma_wait3A_639 = arith.constant 0 : i32
    %dma_wait3A_640 = tpu.memref_slice %arg6[%dma_wait3A_638, %dma_wait3A_639] : memref<512x128xf32, #tpu.memory_space<vmem>> -> memref<32x128xf32, #tpu.memory_space<vmem>>
    tpu.wait_dma2 semaphore(%arg9 : memref<!tpu.dma_semaphore, #tpu.memory_space<semaphore_mem>>) src(%dma_wait3A_640 : memref<32x128xf32, #tpu.memory_space<vmem>>) dst(%dma_wait3A_637 : memref<32x128xf32, #tpu.memory_space<hbm>>)
    %dma_wait3A_641 = arith.constant 288 : i32
    %dma_wait3A_642 = arith.constant 0 : i32
    %dma_wait3A_643 = tpu.memref_slice %arg6[%dma_wait3A_641, %dma_wait3A_642] : memref<512x128xf32, #tpu.memory_space<vmem>> -> memref<32x128xf32, #tpu.memory_space<vmem>>
    %dma_wait3A_644 = arith.constant 0 : i32
    %dma_wait3A_645 = tpu.memref_slice %arg4[%add3A_402, %dma_wait3A_644] : memref<16384x128xf32, #tpu.memory_space<hbm>> -> memref<32x128xf32, #tpu.memory_space<hbm>>
    %dma_wait3A_646 = arith.constant 0 : i32
    %dma_wait3A_647 = tpu.memref_slice %arg4[%add3A_402, %dma_wait3A_646] : memref<16384x128xf32, #tpu.memory_space<hbm>> -> memref<32x128xf32, #tpu.memory_space<hbm>>
    %dma_wait3A_648 = arith.constant 288 : i32
    %dma_wait3A_649 = arith.constant 0 : i32
    %dma_wait3A_650 = tpu.memref_slice %arg6[%dma_wait3A_648, %dma_wait3A_649] : memref<512x128xf32, #tpu.memory_space<vmem>> -> memref<32x128xf32, #tpu.memory_space<vmem>>
    tpu.wait_dma2 semaphore(%arg9 : memref<!tpu.dma_semaphore, #tpu.memory_space<semaphore_mem>>) src(%dma_wait3A_650 : memref<32x128xf32, #tpu.memory_space<vmem>>) dst(%dma_wait3A_647 : memref<32x128xf32, #tpu.memory_space<hbm>>)
    %dma_wait3A_651 = arith.constant 320 : i32
    %dma_wait3A_652 = arith.constant 0 : i32
    %dma_wait3A_653 = tpu.memref_slice %arg6[%dma_wait3A_651, %dma_wait3A_652] : memref<512x128xf32, #tpu.memory_space<vmem>> -> memref<32x128xf32, #tpu.memory_space<vmem>>
    %dma_wait3A_654 = arith.constant 0 : i32
    %dma_wait3A_655 = tpu.memref_slice %arg4[%add3A_425, %dma_wait3A_654] : memref<16384x128xf32, #tpu.memory_space<hbm>> -> memref<32x128xf32, #tpu.memory_space<hbm>>
    %dma_wait3A_656 = arith.constant 0 : i32
    %dma_wait3A_657 = tpu.memref_slice %arg4[%add3A_425, %dma_wait3A_656] : memref<16384x128xf32, #tpu.memory_space<hbm>> -> memref<32x128xf32, #tpu.memory_space<hbm>>
    %dma_wait3A_658 = arith.constant 320 : i32
    %dma_wait3A_659 = arith.constant 0 : i32
    %dma_wait3A_660 = tpu.memref_slice %arg6[%dma_wait3A_658, %dma_wait3A_659] : memref<512x128xf32, #tpu.memory_space<vmem>> -> memref<32x128xf32, #tpu.memory_space<vmem>>
    tpu.wait_dma2 semaphore(%arg9 : memref<!tpu.dma_semaphore, #tpu.memory_space<semaphore_mem>>) src(%dma_wait3A_660 : memref<32x128xf32, #tpu.memory_space<vmem>>) dst(%dma_wait3A_657 : memref<32x128xf32, #tpu.memory_space<hbm>>)
    %dma_wait3A_661 = arith.constant 352 : i32
    %dma_wait3A_662 = arith.constant 0 : i32
    %dma_wait3A_663 = tpu.memref_slice %arg6[%dma_wait3A_661, %dma_wait3A_662] : memref<512x128xf32, #tpu.memory_space<vmem>> -> memref<32x128xf32, #tpu.memory_space<vmem>>
    %dma_wait3A_664 = arith.constant 0 : i32
    %dma_wait3A_665 = tpu.memref_slice %arg4[%add3A_448, %dma_wait3A_664] : memref<16384x128xf32, #tpu.memory_space<hbm>> -> memref<32x128xf32, #tpu.memory_space<hbm>>
    %dma_wait3A_666 = arith.constant 0 : i32
    %dma_wait3A_667 = tpu.memref_slice %arg4[%add3A_448, %dma_wait3A_666] : memref<16384x128xf32, #tpu.memory_space<hbm>> -> memref<32x128xf32, #tpu.memory_space<hbm>>
    %dma_wait3A_668 = arith.constant 352 : i32
    %dma_wait3A_669 = arith.constant 0 : i32
    %dma_wait3A_670 = tpu.memref_slice %arg6[%dma_wait3A_668, %dma_wait3A_669] : memref<512x128xf32, #tpu.memory_space<vmem>> -> memref<32x128xf32, #tpu.memory_space<vmem>>
    tpu.wait_dma2 semaphore(%arg9 : memref<!tpu.dma_semaphore, #tpu.memory_space<semaphore_mem>>) src(%dma_wait3A_670 : memref<32x128xf32, #tpu.memory_space<vmem>>) dst(%dma_wait3A_667 : memref<32x128xf32, #tpu.memory_space<hbm>>)
    %dma_wait3A_671 = arith.constant 384 : i32
    %dma_wait3A_672 = arith.constant 0 : i32
    %dma_wait3A_673 = tpu.memref_slice %arg6[%dma_wait3A_671, %dma_wait3A_672] : memref<512x128xf32, #tpu.memory_space<vmem>> -> memref<32x128xf32, #tpu.memory_space<vmem>>
    %dma_wait3A_674 = arith.constant 0 : i32
    %dma_wait3A_675 = tpu.memref_slice %arg4[%add3A_471, %dma_wait3A_674] : memref<16384x128xf32, #tpu.memory_space<hbm>> -> memref<32x128xf32, #tpu.memory_space<hbm>>
    %dma_wait3A_676 = arith.constant 0 : i32
    %dma_wait3A_677 = tpu.memref_slice %arg4[%add3A_471, %dma_wait3A_676] : memref<16384x128xf32, #tpu.memory_space<hbm>> -> memref<32x128xf32, #tpu.memory_space<hbm>>
    %dma_wait3A_678 = arith.constant 384 : i32
    %dma_wait3A_679 = arith.constant 0 : i32
    %dma_wait3A_680 = tpu.memref_slice %arg6[%dma_wait3A_678, %dma_wait3A_679] : memref<512x128xf32, #tpu.memory_space<vmem>> -> memref<32x128xf32, #tpu.memory_space<vmem>>
    tpu.wait_dma2 semaphore(%arg9 : memref<!tpu.dma_semaphore, #tpu.memory_space<semaphore_mem>>) src(%dma_wait3A_680 : memref<32x128xf32, #tpu.memory_space<vmem>>) dst(%dma_wait3A_677 : memref<32x128xf32, #tpu.memory_space<hbm>>)
    %dma_wait3A_681 = arith.constant 416 : i32
    %dma_wait3A_682 = arith.constant 0 : i32
    %dma_wait3A_683 = tpu.memref_slice %arg6[%dma_wait3A_681, %dma_wait3A_682] : memref<512x128xf32, #tpu.memory_space<vmem>> -> memref<32x128xf32, #tpu.memory_space<vmem>>
    %dma_wait3A_684 = arith.constant 0 : i32
    %dma_wait3A_685 = tpu.memref_slice %arg4[%add3A_494, %dma_wait3A_684] : memref<16384x128xf32, #tpu.memory_space<hbm>> -> memref<32x128xf32, #tpu.memory_space<hbm>>
    %dma_wait3A_686 = arith.constant 0 : i32
    %dma_wait3A_687 = tpu.memref_slice %arg4[%add3A_494, %dma_wait3A_686] : memref<16384x128xf32, #tpu.memory_space<hbm>> -> memref<32x128xf32, #tpu.memory_space<hbm>>
    %dma_wait3A_688 = arith.constant 416 : i32
    %dma_wait3A_689 = arith.constant 0 : i32
    %dma_wait3A_690 = tpu.memref_slice %arg6[%dma_wait3A_688, %dma_wait3A_689] : memref<512x128xf32, #tpu.memory_space<vmem>> -> memref<32x128xf32, #tpu.memory_space<vmem>>
    tpu.wait_dma2 semaphore(%arg9 : memref<!tpu.dma_semaphore, #tpu.memory_space<semaphore_mem>>) src(%dma_wait3A_690 : memref<32x128xf32, #tpu.memory_space<vmem>>) dst(%dma_wait3A_687 : memref<32x128xf32, #tpu.memory_space<hbm>>)
    %dma_wait3A_691 = arith.constant 448 : i32
    %dma_wait3A_692 = arith.constant 0 : i32
    %dma_wait3A_693 = tpu.memref_slice %arg6[%dma_wait3A_691, %dma_wait3A_692] : memref<512x128xf32, #tpu.memory_space<vmem>> -> memref<32x128xf32, #tpu.memory_space<vmem>>
    %dma_wait3A_694 = arith.constant 0 : i32
    %dma_wait3A_695 = tpu.memref_slice %arg4[%add3A_517, %dma_wait3A_694] : memref<16384x128xf32, #tpu.memory_space<hbm>> -> memref<32x128xf32, #tpu.memory_space<hbm>>
    %dma_wait3A_696 = arith.constant 0 : i32
    %dma_wait3A_697 = tpu.memref_slice %arg4[%add3A_517, %dma_wait3A_696] : memref<16384x128xf32, #tpu.memory_space<hbm>> -> memref<32x128xf32, #tpu.memory_space<hbm>>
    %dma_wait3A_698 = arith.constant 448 : i32
    %dma_wait3A_699 = arith.constant 0 : i32
    %dma_wait3A_700 = tpu.memref_slice %arg6[%dma_wait3A_698, %dma_wait3A_699] : memref<512x128xf32, #tpu.memory_space<vmem>> -> memref<32x128xf32, #tpu.memory_space<vmem>>
    tpu.wait_dma2 semaphore(%arg9 : memref<!tpu.dma_semaphore, #tpu.memory_space<semaphore_mem>>) src(%dma_wait3A_700 : memref<32x128xf32, #tpu.memory_space<vmem>>) dst(%dma_wait3A_697 : memref<32x128xf32, #tpu.memory_space<hbm>>)
    %dma_wait3A_701 = arith.constant 480 : i32
    %dma_wait3A_702 = arith.constant 0 : i32
    %dma_wait3A_703 = tpu.memref_slice %arg6[%dma_wait3A_701, %dma_wait3A_702] : memref<512x128xf32, #tpu.memory_space<vmem>> -> memref<32x128xf32, #tpu.memory_space<vmem>>
    %dma_wait3A_704 = arith.constant 0 : i32
    %dma_wait3A_705 = tpu.memref_slice %arg4[%add3A_540, %dma_wait3A_704] : memref<16384x128xf32, #tpu.memory_space<hbm>> -> memref<32x128xf32, #tpu.memory_space<hbm>>
    %dma_wait3A_706 = arith.constant 0 : i32
    %dma_wait3A_707 = tpu.memref_slice %arg4[%add3A_540, %dma_wait3A_706] : memref<16384x128xf32, #tpu.memory_space<hbm>> -> memref<32x128xf32, #tpu.memory_space<hbm>>
    %dma_wait3A_708 = arith.constant 480 : i32
    %dma_wait3A_709 = arith.constant 0 : i32
    %dma_wait3A_710 = tpu.memref_slice %arg6[%dma_wait3A_708, %dma_wait3A_709] : memref<512x128xf32, #tpu.memory_space<vmem>> -> memref<32x128xf32, #tpu.memory_space<vmem>>
    tpu.wait_dma2 semaphore(%arg9 : memref<!tpu.dma_semaphore, #tpu.memory_space<semaphore_mem>>) src(%dma_wait3A_710 : memref<32x128xf32, #tpu.memory_space<vmem>>) dst(%dma_wait3A_707 : memref<32x128xf32, #tpu.memory_space<hbm>>)
    return
  }
}

</mosaic_0001>

<sc_bundles>
// kernel: kernel.3.cloned.1.call-start
scs
__scs_entry_jumppad:
0x0: {  	(pc) =	sbr.rel $0x88, $3  }
0x1: {  	(tag) =	ssettag $0x0;
	lr =	simm.s32 $0x1  }
0x2: {  	[smem:$0x3F9F] =	sst lr;
	_ =	strace $0xD0000000  }
0x3: {  	_ = 	snop  }
0x4: {  	_ = 	snop  }
0x5: {  	_ = 	snop  }
0x6: {  	_ = 	snop  }
0x7: {  	_ = 	snop  }
__scs_overlays_trampoline_lowered:
0x8: {  	[smem:$0x3FAE] =	sst s0  }
0x9: {  	[smem:$0x3FAF] =	sst s1  }
0xa: {  	[smem:$0x3FB0] =	sst s2  }
0xb: {  	[smem:$0x3FB1] =	sst s3  }
0xc: {  	[smem:$0x3FB2] =	sst s4  }
0xd: {  	[smem:$0x3FB3] =	sst s5  }
0xe: {  	[smem:$0x3FB4] =	sst s6  }
0xf: {  	[smem:$0x3FB5] =	sst s7  }
0x10: {  	[smem:$0x3FB6] =	sst s8  }
0x11: {  	[smem:$0x3FB7] =	sst s9;
	s0 =	simm.s32 @!p0 $0x0  }
0x12: {  	s1 =	sld [smem:$0x3F9D];
	s0 =	simm.s32 @p0 $0x1  }
0x13: {  	[smem:$0x3FB8] =	sst s0;
	s0 =	simm.s32 @!p1 $0x0  }
0x14: {  	s2 =	sld [smem:$0x3F9C];
	s0 =	simm.s32 @p1 $0x1  }
0x15: {  	[smem:$0x3FB9] =	sst s0;
	s0 =	simm.s32 @!p2 $0x0  }
0x16: {  	s3 =	sld [smem:$0x3FDB];
	s0 =	simm.s32 @p2 $0x1  }
0x17: {  	s4 =	simm.s32 $0x1BF5;
	[smem:$0x3FBB] =	sst s0  }
0x18: {  	s0 =	sld [smem:$0x3F9E];
	_ =	swait.ge [sflag:s4], $0x0  }
0x19: {  	s7 =	sld [smem:$0x3F9F]  }
0x1a: {  	s8 =	sadd.s32 $0xFFFFE003, lr  }
0x1b: {  	s9 =	sadd.s32 $0xFFFFFEF7, lr;
	s5 =	simm.s32 $0xFFFFFFFF;
	p2 =	slt.u32 s8, $0xFFFFF086  }
0x1c: {  	p1 =	slt.u32 s9, $0xF7A;
	s5 =	simm.s32 @!p2 $0x0  }
0x1d: {  	s5 =	simm.s32 @p1 $0x1;
	p0 =	seq.s32 s7, s2  }
0x1e: {  	s7 =	smul.u32 @!p0 $0xF7A, s2;
	p2 =	seq.s32 @!p0 s5, $0x0  }
0x1f: {  	s9 =	smul.u32 $0xF7A, s1;
	s8 =	simm.s32 @!p0 $0x1BF5;
	p2 =	por !p2, p0  }
0x20: {  	[sflag:s8] =	ssyncset.s32 @!p0 $0xFFFFF086;
	s6 =	sadd.s32 @!p0 s3, s7;
	s7 =	simm.s32 @!p0 $0x108  }
0x21: {  	s3 =	sadd.s32 s3, s9;
	s6 =	sadd.s32 @!p0 $0x88, s6;
	s7 =	simm.s32 @p2 $0x1082  }
0x22: {  	[simem:s7], [sflag:s8] =	dma.local @!p0 [hbm:s6], $0xF7A  }
0x23: {  	s9 =	sor.u32 $0xD0000000, s2;
	s6 =	simm.s32 $0x108;
	_ =	swait.ge @!p0 [sflag:s8], $0x0  }
0x24: {  	s3 =	sadd.s32 $0x88, s3;
	s6 =	simm.s32 @!p1 $0x1082;
	[sflag:s4] =	ssyncset.s32 $0xFFFFF086  }
0x25: {  	[simem:s6], [sflag:s4] =	dma.local [hbm:s3], $0xF7A  }
0x26: {  	[smem:$0x3F9F] =	sst s1;
	(tag) =	ssettag s2;
	_ =	strace s9  }
0x27: {  	s1 =	sld [smem:$0x3FAF]  }
0x28: {  	s2 =	sld [smem:$0x3FB0]  }
0x29: {  	s4 =	sld [smem:$0x3FB2]  }
0x2a: {  	p0 =	seq.s32 s5, $0x0;
	s5 =	sld [smem:$0x3FB3]  }
0x2b: {  	s6 =	sld [smem:$0x3FB4]  }
0x2c: {  	s7 =	sld [smem:$0x3FB5]  }
0x2d: {  	s3 =	simm.s32 $0x108;
	s8 =	sld [smem:$0x3FB6]  }
0x2e: {  	s3 =	simm.s32 @!p0 $0x1082;
	s9 =	sld [smem:$0x3FB7]  }
0x2f: {  	lr =	sadd.s32 s0, s3;
	s0 =	sld [smem:$0x3FAE]  }
0x30: {  	s3 =	sld [smem:$0x3FB1]  }
0x31: {  	[smem:$0x3FBA] =	sst s10  }
0x32: {  	s10 =	sld [smem:$0x3FB8];
	_ =	sdelay $0x3  }
0x33: {  	p0 =	seq.s32 s10, $0x1;
	s10 =	sld [smem:$0x3FBA];
	_ =	sdelay $0x3  }
0x34: {  	[smem:$0x3FBA] =	sst s10  }
0x35: {  	s10 =	sld [smem:$0x3FB9];
	_ =	sdelay $0x3  }
0x36: {  	p1 =	seq.s32 s10, $0x1;
	s10 =	sld [smem:$0x3FBA];
	_ =	sdelay $0x3  }
0x37: {  	[smem:$0x3FBA] =	sst s10  }
0x38: {  	s10 =	sld [smem:$0x3FBB]  }
0x39: {  	_ = 	snop;
	(pc) =	sbr.ind lr, $3  }
0x3a: {  	_ = 	snop  }
0x3b: {  	_ = 	snop  }
0x3c: {  	p2 =	seq.s32 s10, $0x1;
	s10 =	sld [smem:$0x3FBA]  }
0x3d: {  	_ =	shalt  }
0x3e: {  	_ =	shalt  }
0x3f: {  	_ =	shalt  }
0x40: {  	_ =	shalt  }
0x41: {  	_ =	shalt  }
0x42: {  	_ =	shalt  }
0x43: {  	_ =	shalt  }
0x44: {  	_ =	shalt  }
0x45: {  	_ =	shalt  }
0x46: {  	_ =	shalt  }
0x47: {  	_ =	shalt  }
0x48: {  	_ =	shalt  }
0x49: {  	_ =	shalt  }
0x4a: {  	_ =	shalt  }
0x4b: {  	_ =	shalt  }
0x4c: {  	_ =	shalt  }
0x4d: {  	_ =	shalt  }
0x4e: {  	_ =	shalt  }
0x4f: {  	_ =	shalt  }
0x50: {  	_ =	shalt  }
0x51: {  	_ =	shalt  }
0x52: {  	_ =	shalt  }
0x53: {  	_ =	shalt  }
0x54: {  	_ =	shalt  }
0x55: {  	_ =	shalt  }
0x56: {  	_ =	shalt  }
0x57: {  	_ =	shalt  }
0x58: {  	_ =	shalt  }
0x59: {  	_ =	shalt  }
0x5a: {  	_ =	shalt  }
0x5b: {  	_ =	shalt  }
0x5c: {  	_ =	shalt  }
0x5d: {  	_ =	shalt  }
0x5e: {  	_ =	shalt  }
0x5f: {  	_ =	shalt  }
0x60: {  	_ =	shalt  }
0x61: {  	_ =	shalt  }
0x62: {  	_ =	shalt  }
0x63: {  	_ =	shalt  }
0x64: {  	_ =	shalt  }
0x65: {  	_ =	shalt  }
0x66: {  	_ =	shalt  }
0x67: {  	_ =	shalt  }
0x68: {  	_ =	shalt  }
0x69: {  	_ =	shalt  }
0x6a: {  	_ =	shalt  }
0x6b: {  	_ =	shalt  }
0x6c: {  	_ =	shalt  }
0x6d: {  	_ =	shalt  }
0x6e: {  	_ =	shalt  }
0x6f: {  	_ =	shalt  }
0x70: {  	_ =	shalt  }
0x71: {  	_ =	shalt  }
0x72: {  	_ =	shalt  }
0x73: {  	_ =	shalt  }
0x74: {  	_ =	shalt  }
0x75: {  	_ =	shalt  }
0x76: {  	_ =	shalt  }
0x77: {  	_ =	shalt  }
0x78: {  	_ =	shalt  }
0x79: {  	_ =	shalt  }
0x7a: {  	_ =	shalt  }
0x7b: {  	_ =	shalt  }
0x7c: {  	_ =	shalt  }
0x7d: {  	_ =	shalt  }
0x7e: {  	_ =	shalt  }
0x7f: {  	_ =	shalt  }
0x80: {  	_ =	shalt  }
0x81: {  	_ =	shalt  }
0x82: {  	_ =	shalt  }
0x83: {  	_ =	shalt  }
0x84: {  	_ =	shalt  }
0x85: {  	_ =	shalt  }
0x86: {  	_ =	shalt  }
0x87: {  	_ =	shalt  }
.Lfunc_end0:
.L_simem_size_0:
called_computation_lowered:
.L_overlay_start_0:
0x88: {  	s2 =	sld [smem:$0x3FD9]  }
0x89: {  	s3 =	sld [smem:$0x3FFE];
	_ =	sdelay $0x1  }
0x8a: {  	s1 =	srdreg.scid  }
0x8b: {  	s0 =	sand.u32 $0x1, s1  }
0x8c: {  	s18 =	sshll.u32 s0, $0xA;
	s2 =	sadd.s32 s3, s2  }
0x8d: {  	s2 =	sadd.s32 s2, s18  }
0x8e: {  	[smem:$0x3FC6] =	sst s2  }
0x8f: {  	_ = 	snop  }
0x90: {  	s2 =	sld [smem:$0x3FC9]  }
0x91: {  	s19 =	sld [smem:$0x3FC8]  }
0x92: {  	s4 =	sld [smem:$0x3FD0];
	(tm) =	ssettm $0x1  }
0x93: {  	s5 =	sld [smem:$0x3FFB];
	_ =	sdelay $0x3  }
0x94: {  	_ =	strace s5  }
0x95: {  	s5 =	sld [smem:$0x3FFC];
	_ =	sdelay $0x3  }
0x96: {  	_ =	strace s5  }
0x97: {  	s5 =	sld [smem:$0x3FFD];
	_ =	sdelay $0x3  }
0x98: {  	_ =	strace s5  }
0x99: {  	_ =	strace $0x8FFFFFFF  }
0x9a: {  	s20 =	sld [smem:$0x3FDB];
	_ =	sdelay $0x1  }
0x9b: {  	s6 =	simm.s32 $_scs_section_size  }
0x9c: {  	s7 =	simm.s32 $_size__tile_overlayer_lowered;
	s8 =	simm.s32 $_tile_overlayer_lowered  }
0x9d: {  	s23 =	simm.s32 $0x1BFF;
	s22 =	sshll.u32 s8, $0x1;
	s5 =	sadd.s32 s6, s20  }
0x9e: {  	s9 =	simm.s32 $0x0;
	s21 =	sshll.u32 s7, $0x1;
	s7 =	sadd.s32 s22, s5  }
0x9f: {  	[timem:s9], [sflag:s23] =	dma.local [hbm:s7], s21  }
0xa0: {  	_ =	swait.ge [sflag:s23], s21  }
0xa1: {  	s6 =	ssub.s32 $0x0, s21;
	[sflag:s23] =	ssyncset.done $0x0  }
0xa2: {  	[sflag:s23] =	ssyncadd.s32 s6;
	_ =	sdelay $0x1  }
0xa3: {  	s24 =	simm.s32 $0x1B8B  }
0xa4: {  	_ =	swait.ge [sflag:s24], $0x1  }
0xa5: {  	[sflag:s24] =	ssyncset.done $0x0  }
0xa6: {  	s25 =	simm.s32 $0x1B8E;
	[sflag:s24] =	ssyncadd.s32 $0xFFFFFFFF  }
0xa7: {  	s26 =	simm.s32 $execute0_lowered;
	[smem:$0x3FD2] =	sst s25  }
0xa8: {  	s6 =	sshll.u32 s26, $0x1;
	_ =	strace $0x80000046;
	[dreg:$0x1] =	wrdreg $0xFFFFFFFF  }
0xa9: {  	s28 =	simm.s32 $_size_execute0_lowered;
	s5 =	sadd.s32 s5, s6;
	[dreg:$0x0] =	wrdreg $0x0  }
0xaa: {  	s6 =	sshll.u32 s28, $0x1;
	[dreg:$0x2] =	wrdreg s5  }
0xab: {  	[dreg:$0x3] =	wrdreg s6  }
0xac: {  	[dreg:$0x4] =	wrdreg $0xC0  }
0xad: {  	_ =	task [dreg:s9], $0x5FFFF  }
0xae: {  	[dreg:$0x1] =	wrdreg $0xFFFFFFFF  }
0xaf: {  	[dreg:$0x0] =	wrdreg $0x60  }
0xb0: {  	[dreg:$0x2] =	wrdreg s2  }
0xb1: {  	[dreg:$0x3] =	wrdreg s19  }
0xb2: {  	[dreg:$0x4] =	wrdreg s4  }
0xb3: {  	[dreg:$0x5] =	wrdreg $0x102000  }
0xb4: {  	[dreg:$0x6] =	wrdreg $0x9  }
0xb5: {  	_ =	task.clear_ibuf [dreg:s9], $0x7FFFF;
	_ =	strace $0x90000046  }
0xb6: {  	s29 =	simm.s32 $0x9;
	_ =	strace $0x80000048  }
0xb7: {  	_ =	swait.ge [sflag:s29], $0x1  }
0xb8: {  	[sflag:s29] =	ssyncadd.s32 $0xFFFFFFFF  }
0xb9: {  	_ =	strace $0x90000048  }
0xba: {  	_ =	sfence  }
0xbb: {  	s30 =	sld [smem:$0x0];
	_ =	sdelay $0x2  }
0xbc: {  	s31 =	sshll.u32 s1, $0xD;
	s1 =	sshrl.u32 s1, $0x2  }
0xbd: {  	s3 =	sand.u32 $0x4000, s31;
	s1 =	sadd.s32 s1, s30  }
0xbe: {  	s0 =	sor.u32 s3, s0;
	s1 =	sshll.u32 s1, $0x11  }
0xbf: {  	s0 =	sor.u32 s1, s0  }
0xc0: {  	s0 =	sadd.s32 $0x8F2B, s0  }
0xc1: {  	[sflag:s0] =	ssyncadd.remote.s32 $0x1  }
0xc2: {  	_ =	sfence.sel $0xFFFF  }
0xc3: {  	[dreg:$0x0] =	wrdreg $0xFFFFFFFF;
	(pc) =	sbr.abs _section_cstart, $3  }
0xc4: {  	[dreg:$0x1] =	wrdreg $0xFFFFFFFF  }
0xc5: {  	_ =	task.clear_ibuf [dreg:s9], $0x2FFFF;
	_ =	strace $0x9FFFFFFF  }
0xc6: {  	(tm) =	ssettm $0x7FFFFFFF  }
0xc7: {  	_ =	shalt  }
tec
execute0_lowered:
.L_overlay_start_1:
0x0: {  	(tag) =	ssettag $0x1  }
0x1: {  	s0 =	rddreg [dreg:$0x0]  }
0x2: {  	s1 =	rddreg [dreg:$0x1]  }
0x3: {  	s4 =	rddreg [dreg:$0x2]  }
0x4: {  	s2 =	rddreg [dreg:$0x3];
	s3 =	simm.s32 $0x0  }
0x5: {  	s5 =	srdreg.scid;
	s28 =	simm.s32 $0x40;
	[smem:$0x7FF] =	sst s3  }
0x6: {  	s29 =	simm.s32 $0x60;
	_ =	strace $0x80000047;
	[dreg:$0x1a] =	wrdreg s28  }
0x7: {  	s8 =	stileid.u32;
	s30 =	simm.s32 $0x80;
	[dreg:$0x1b] =	wrdreg s29  }
0x8: {  	s31 =	simm.s32 $0xA0;
	s9 =	sshll.u32 s8, $0xA;
	[dreg:$0x1c] =	wrdreg s30  }
0x9: {  	s18 =	sand.u32 $0x1, s5;
	s7 =	sadd.s32 s1, s9;
	[dreg:$0x1d] =	wrdreg s31  }
0xa: {  	s6 =	sshll.u32 s18, $0x9;
	s1 =	sadd.s32 $0x3C00, s1;
	[dreg:$0x5] =	wrdreg s7  }
0xb: {  	s5 =	sor.u32 s6, s9;
	[dreg:$0x6] =	wrdreg s1;
	s7 =	simm.s32 $0x120  }
0xc: {  	s9 =	simm.s32 $0x160;
	s6 =	sshrl.u32 s5, $0x3;
	[smem:$0x7F6] =	sst s7  }
0xd: {  	s5 =	sshll.u32 s5, $0x4;
	[smem:$0x7F8] =	sst s9;
	s0 =	sadd.s32 s0, s6  }
0xe: {  	s5 =	sadd.s32 s4, s5;
	s6 =	simm.s32 $0x100;
	[dreg:$0x7] =	wrdreg s0  }
0xf: {  	s10 =	sadd.s32 $0x200, s5;
	[smem:$0x7F5] =	sst s6  }
0x10: {  	s11 =	sadd.s32 $0x400, s5;
	[dreg:$0x8] =	wrdreg s10  }
0x11: {  	s12 =	sadd.s32 $0x600, s5;
	[dreg:$0x9] =	wrdreg s11  }
0x12: {  	s13 =	sadd.s32 $0x800, s5;
	[dreg:$0xa] =	wrdreg s12  }
0x13: {  	s14 =	sadd.s32 $0xA00, s5;
	[dreg:$0xb] =	wrdreg s13  }
0x14: {  	s15 =	sadd.s32 $0xC00, s5;
	[dreg:$0xc] =	wrdreg s14  }
0x15: {  	s16 =	sadd.s32 $0xE00, s5;
	[dreg:$0xd] =	wrdreg s15  }
0x16: {  	s17 =	sadd.s32 $0x1000, s5;
	[dreg:$0xe] =	wrdreg s16  }
0x17: {  	s19 =	sadd.s32 $0x1200, s5;
	[dreg:$0xf] =	wrdreg s17  }
0x18: {  	s20 =	sadd.s32 $0x1400, s5;
	[dreg:$0x10] =	wrdreg s19  }
0x19: {  	s21 =	sadd.s32 $0x1600, s5;
	[dreg:$0x11] =	wrdreg s20  }
0x1a: {  	s22 =	sadd.s32 $0x1800, s5;
	[dreg:$0x12] =	wrdreg s21  }
0x1b: {  	s24 =	sadd.s32 $0x1A00, s5;
	[dreg:$0x13] =	wrdreg s22  }
0x1c: {  	p0 =	seq.s32 s8, $0xF;
	s25 =	sadd.s32 $0x1C00, s5;
	[dreg:$0x14] =	wrdreg s24  }
0x1d: {  	s4 =	sadd.s32 $0x1E000, s2;
	s26 =	sadd.s32 $0x1E00, s5;
	[dreg:$0x15] =	wrdreg s25  }
0x1e: {  	s23 =	sshll.u32 s8, $0xD;
	s0 =	sshrl.u32 @p0 s4, $0x3;
	[dreg:$0x16] =	wrdreg s26  }
0x1f: {  	s4 =	sshll.u32 @!p0 s8, $0x6;
	s8 =	simm.s32 $0x140;
	[dreg:$0x19] =	wrdreg s0  }
0x20: {  	s0 =	sor.u32 @!p0 $0x1C12, s4;
	[smem:$0x7F7] =	sst s8  }
0x21: {  	s4 =	simm.s32 $0xE0;
	[dreg:$0x17] =	wrdreg s0  }
0x22: {  	s10 =	simm.s32 $0x180;
	[dreg:$0x1f] =	wrdreg s4  }
0x23: {  	s11 =	simm.s32 $0x1A0;
	[smem:$0x7F9] =	sst s10  }
0x24: {  	[smem:$0x7FA] =	sst s11  }
0x25: {  	s12 =	simm.s32 $0x1C0;
	s4 =	rddreg [dreg:$0x19]  }
0x26: {  	s1 =	sadd.s32 s23, s2;
	s13 =	simm.s32 $0x1E0;
	[smem:$0x7FB] =	sst s12  }
0x27: {  	s0 =	sshrl.u32 @!p0 s1, $0x3;
	[smem:$0x7FC] =	sst s13  }
0x28: {  	s1 =	simm.s32 $0xC0;
	[dreg:$0x18] =	wrdreg s0  }
0x29: {  	[dreg:$0x1e] =	wrdreg s1  }
0x2a: {  	s6 =	simm.s32 @p0 $0x12;
	s0 =	rddreg [dreg:$0x6];
	s1 =	simm.s32 @p0 $0x1FD2  }
0x2b: {  	[spmem:s4], [sflag:s1] =	dma.local @p0 [hbm:s0], $0x280  }
0x2c: {  	_ =	swait.ge @p0 [sflag:s6], $0x280  }
0x2d: {  	s0 =	rddreg [dreg:$0x18]  }
0x2e: {  	s1 =	rddreg [dreg:$0x5];
	[sflag:s6] =	ssyncset.done @p0 $0x0  }
0x2f: {  	s4 =	rddreg [dreg:$0x17];
	[sflag:s6] =	ssyncadd.s32 @p0 $0xFFFFFD80;
	s6 =	simm.s32 @!p0 $0x12  }
0x30: {  	[spmem:s0], [sflag:s4] =	dma.local @!p0 [hbm:s1], $0x400  }
0x31: {  	_ =	swait.ge @!p0 [sflag:s6], $0x400  }
0x32: {  	[sflag:s6] =	ssyncset.done @!p0 $0x0  }
0x33: {  	s15 =	simm.s32 $0x12;
	s14 =	rddreg [dreg:$0x7];
	[sflag:s6] =	ssyncadd.s32 @!p0 $0xFFFFFC00  }
0x34: {  	[tilespmem:s3], [sflag:$0x12] =	stream.linear.gather [hbm4b:s14+s3], $0x200, $0x38;
	[tilespmem:$0x12140] =	vst v63  }
0x35: {  	_ =	swait.ge [sflag:s15], $0x200  }
0x36: {  	[sflag:s15] =	ssyncset.done $0x0  }
0x37: {  	[sflag:s15] =	ssyncadd.s32 $0xFFFFFE00  }
0x38: {  	s9 =	simm.s32 $0x20;
	s4 =	simm.s32 $0x200;
	[bflag:$0x0] =	sbarrier.arrive $0xFFFF  }
0x39: {  	[tilespmem:s4], [sflag:$0x1] =	stream.indirect.gather [spmem:s2], $0x80, s3, s9, $0xb8;
	[tilespmem:$0x12140] =	vst v63  }
0x3a: {  	s10 =	simm.s32 $0x1200;
	s16 =	rddreg [dreg:$0x1a]  }
0x3b: {  	[tilespmem:s10], [sflag:$0x2] =	stream.indirect.gather [spmem:s2], $0x80, s9, s9, $0xb8;
	[tilespmem:$0x12140] =	vst v63  }
0x3c: {  	s11 =	simm.s32 $0x2200;
	s17 =	rddreg [dreg:$0x1b]  }
0x3d: {  	[tilespmem:s11], [sflag:$0x3] =	stream.indirect.gather [spmem:s2], $0x80, s16, s9, $0xb8;
	[tilespmem:$0x12140] =	vst v63  }
0x3e: {  	s12 =	simm.s32 $0x3200;
	s19 =	rddreg [dreg:$0x1c]  }
0x3f: {  	[tilespmem:s12], [sflag:$0x4] =	stream.indirect.gather [spmem:s2], $0x80, s17, s9, $0xb8;
	[tilespmem:$0x12140] =	vst v63  }
0x40: {  	s13 =	simm.s32 $0x4200;
	s20 =	rddreg [dreg:$0x1d]  }
0x41: {  	[tilespmem:s13], [sflag:$0x5] =	stream.indirect.gather [spmem:s2], $0x80, s19, s9, $0xb8;
	[tilespmem:$0x12140] =	vst v63  }
0x42: {  	s6 =	simm.s32 $0x5200;
	s21 =	rddreg [dreg:$0x1e]  }
0x43: {  	[tilespmem:s6], [sflag:$0x6] =	stream.indirect.gather [spmem:s2], $0x80, s20, s9, $0xb8;
	[tilespmem:$0x12140] =	vst v63  }
0x44: {  	s7 =	simm.s32 $0x6200;
	s22 =	rddreg [dreg:$0x1f]  }
0x45: {  	[tilespmem:s7], [sflag:$0x7] =	stream.indirect.gather [spmem:s2], $0x80, s21, s9, $0xb8;
	[tilespmem:$0x12140] =	vst v63  }
0x46: {  	s8 =	simm.s32 $0x7200;
	s23 =	sld [smem:$0x7F5]  }
0x47: {  	[tilespmem:s8], [sflag:$0x8] =	stream.indirect.gather [spmem:s2], $0x80, s22, s9, $0xb8;
	[tilespmem:$0x12140] =	vst v63  }
0x48: {  	s14 =	simm.s32 $0x8200;
	s24 =	sld [smem:$0x7F6]  }
0x49: {  	[tilespmem:s14], [sflag:$0x9] =	stream.indirect.gather [spmem:s2], $0x80, s23, s9, $0xb8;
	[tilespmem:$0x12140] =	vst v63  }
0x4a: {  	s15 =	simm.s32 $0x9200;
	s25 =	sld [smem:$0x7F7]  }
0x4b: {  	[tilespmem:s15], [sflag:$0xA] =	stream.indirect.gather [spmem:s2], $0x80, s24, s9, $0xb8;
	[tilespmem:$0x12140] =	vst v63  }
0x4c: {  	s26 =	sld [smem:$0x7F8];
	s16 =	simm.s32 $0xA200  }
0x4d: {  	[tilespmem:s16], [sflag:$0xB] =	stream.indirect.gather [spmem:s2], $0x80, s25, s9, $0xb8;
	[tilespmem:$0x12140] =	vst v63  }
0x4e: {  	s28 =	sld [smem:$0x7F9];
	s17 =	simm.s32 $0xB200  }
0x4f: {  	[tilespmem:s17], [sflag:$0xC] =	stream.indirect.gather [spmem:s2], $0x80, s26, s9, $0xb8;
	[tilespmem:$0x12140] =	vst v63  }
0x50: {  	s29 =	sld [smem:$0x7FA];
	s19 =	simm.s32 $0xC200  }
0x51: {  	[tilespmem:s19], [sflag:$0xD] =	stream.indirect.gather [spmem:s2], $0x80, s28, s9, $0xb8;
	[tilespmem:$0x12140] =	vst v63  }
0x52: {  	s30 =	sld [smem:$0x7FB];
	s20 =	simm.s32 $0xD200  }
0x53: {  	[tilespmem:s20], [sflag:$0xE] =	stream.indirect.gather [spmem:s2], $0x80, s29, s9, $0xb8;
	[tilespmem:$0x12140] =	vst v63  }
0x54: {  	s31 =	sld [smem:$0x7FC];
	s21 =	simm.s32 $0xE200  }
0x55: {  	[tilespmem:s21], [sflag:$0xF] =	stream.indirect.gather [spmem:s2], $0x80, s30, s9, $0xb8;
	[tilespmem:$0x12140] =	vst v63  }
0x56: {  	s1 =	simm.s32 $0x1;
	s22 =	simm.s32 $0xF200  }
0x57: {  	[tilespmem:s22], [sflag:$0x10] =	stream.indirect.gather [spmem:s2], $0x80, s31, s9, $0xb8;
	[tilespmem:$0x12140] =	vst v63  }
0x58: {  	_ =	swait.ge [sflag:s1], $0x1000  }
0x59: {  	[sflag:s1] =	ssyncset.done $0x0  }
0x5a: {  	s23 =	simm.s32 $0x2;
	[smem:$0x7FD] =	sst s5;
	[sflag:s1] =	ssyncadd.s32 $0xFFFFF000  }
0x5b: {  	[hbm4b:s5+s3] =	stream.linear.scatter [tilespmem:s4], [sflag:$0x11], $0x1000, $0x38;
	[tilespmem:$0x12140] =	vst v63  }
0x5c: {  	_ =	swait.ge [sflag:s23], $0x1000  }
0x5d: {  	[sflag:s23] =	ssyncset.done $0x0  }
0x5e: {  	s25 =	simm.s32 $0x3;
	s24 =	rddreg [dreg:$0x8];
	[sflag:s23] =	ssyncadd.s32 $0xFFFFF000  }
0x5f: {  	[hbm4b:s24+s3] =	stream.linear.scatter [tilespmem:s10], [sflag:$0x11], $0x1000, $0x38;
	[tilespmem:$0x12140] =	vst v63  }
0x60: {  	_ =	swait.ge [sflag:s25], $0x1000  }
0x61: {  	[sflag:s25] =	ssyncset.done $0x0  }
0x62: {  	s28 =	simm.s32 $0x4;
	s26 =	rddreg [dreg:$0x9];
	[sflag:s25] =	ssyncadd.s32 $0xFFFFF000  }
0x63: {  	[hbm4b:s26+s3] =	stream.linear.scatter [tilespmem:s11], [sflag:$0x11], $0x1000, $0x38;
	[tilespmem:$0x12140] =	vst v63  }
0x64: {  	_ =	swait.ge [sflag:s28], $0x1000  }
0x65: {  	[sflag:s28] =	ssyncset.done $0x0  }
0x66: {  	s30 =	simm.s32 $0x5;
	s29 =	rddreg [dreg:$0xa];
	[sflag:s28] =	ssyncadd.s32 $0xFFFFF000  }
0x67: {  	[hbm4b:s29+s3] =	stream.linear.scatter [tilespmem:s12], [sflag:$0x11], $0x1000, $0x38;
	[tilespmem:$0x12140] =	vst v63  }
0x68: {  	_ =	swait.ge [sflag:s30], $0x1000  }
0x69: {  	[sflag:s30] =	ssyncset.done $0x0  }
0x6a: {  	s4 =	simm.s32 $0x6;
	s31 =	rddreg [dreg:$0xb];
	[sflag:s30] =	ssyncadd.s32 $0xFFFFF000  }
0x6b: {  	[hbm4b:s31+s3] =	stream.linear.scatter [tilespmem:s13], [sflag:$0x11], $0x1000, $0x38;
	[tilespmem:$0x12140] =	vst v63  }
0x6c: {  	_ =	swait.ge [sflag:s4], $0x1000  }
0x6d: {  	[sflag:s4] =	ssyncset.done $0x0  }
0x6e: {  	s5 =	rddreg [dreg:$0xc];
	[sflag:s4] =	ssyncadd.s32 $0xFFFFF000  }
0x6f: {  	[hbm4b:s5+s3] =	stream.linear.scatter [tilespmem:s6], [sflag:$0x11], $0x1000, $0x38;
	[tilespmem:$0x12140] =	vst v63  }
0x70: {  	s6 =	simm.s32 $0x7  }
0x71: {  	_ =	swait.ge [sflag:s6], $0x1000  }
0x72: {  	[sflag:s6] =	ssyncset.done $0x0  }
0x73: {  	s11 =	simm.s32 $0x8;
	s10 =	rddreg [dreg:$0xd];
	[sflag:s6] =	ssyncadd.s32 $0xFFFFF000  }
0x74: {  	[hbm4b:s10+s3] =	stream.linear.scatter [tilespmem:s7], [sflag:$0x11], $0x1000, $0x38;
	[tilespmem:$0x12140] =	vst v63  }
0x75: {  	_ =	swait.ge [sflag:s11], $0x1000  }
0x76: {  	[sflag:s11] =	ssyncset.done $0x0  }
0x77: {  	s4 =	simm.s32 $0x9;
	s12 =	rddreg [dreg:$0xe];
	[sflag:s11] =	ssyncadd.s32 $0xFFFFF000  }
0x78: {  	[hbm4b:s12+s3] =	stream.linear.scatter [tilespmem:s8], [sflag:$0x11], $0x1000, $0x38;
	[tilespmem:$0x12140] =	vst v63  }
0x79: {  	_ =	swait.ge [sflag:s4], $0x1000  }
0x7a: {  	[sflag:s4] =	ssyncset.done $0x0  }
0x7b: {  	s10 =	simm.s32 $0xA;
	s13 =	rddreg [dreg:$0xf];
	[sflag:s4] =	ssyncadd.s32 $0xFFFFF000  }
0x7c: {  	[hbm4b:s13+s3] =	stream.linear.scatter [tilespmem:s14], [sflag:$0x11], $0x1000, $0x38;
	[tilespmem:$0x12140] =	vst v63  }
0x7d: {  	_ =	swait.ge [sflag:s10], $0x1000  }
0x7e: {  	[sflag:s10] =	ssyncset.done $0x0  }
0x7f: {  	s11 =	simm.s32 $0xB;
	s23 =	rddreg [dreg:$0x10];
	[sflag:s10] =	ssyncadd.s32 $0xFFFFF000  }
0x80: {  	[hbm4b:s23+s3] =	stream.linear.scatter [tilespmem:s15], [sflag:$0x11], $0x1000, $0x38;
	[tilespmem:$0x12140] =	vst v63  }
0x81: {  	_ =	swait.ge [sflag:s11], $0x1000  }
0x82: {  	[sflag:s11] =	ssyncset.done $0x0  }
0x83: {  	s12 =	simm.s32 $0xC;
	s24 =	rddreg [dreg:$0x11];
	[sflag:s11] =	ssyncadd.s32 $0xFFFFF000  }
0x84: {  	[hbm4b:s24+s3] =	stream.linear.scatter [tilespmem:s16], [sflag:$0x11], $0x1000, $0x38;
	[tilespmem:$0x12140] =	vst v63  }
0x85: {  	_ =	swait.ge [sflag:s12], $0x1000  }
0x86: {  	[sflag:s12] =	ssyncset.done $0x0  }
0x87: {  	s13 =	simm.s32 $0xD;
	s25 =	rddreg [dreg:$0x12];
	[sflag:s12] =	ssyncadd.s32 $0xFFFFF000  }
0x88: {  	[hbm4b:s25+s3] =	stream.linear.scatter [tilespmem:s17], [sflag:$0x11], $0x1000, $0x38;
	[tilespmem:$0x12140] =	vst v63  }
0x89: {  	_ =	swait.ge [sflag:s13], $0x1000  }
0x8a: {  	[sflag:s13] =	ssyncset.done $0x0  }
0x8b: {  	s14 =	simm.s32 $0xE;
	s26 =	rddreg [dreg:$0x13];
	[sflag:s13] =	ssyncadd.s32 $0xFFFFF000  }
0x8c: {  	[hbm4b:s26+s3] =	stream.linear.scatter [tilespmem:s19], [sflag:$0x11], $0x1000, $0x38;
	[tilespmem:$0x12140] =	vst v63  }
0x8d: {  	_ =	swait.ge [sflag:s14], $0x1000  }
0x8e: {  	[sflag:s14] =	ssyncset.done $0x0  }
0x8f: {  	s15 =	simm.s32 $0xF;
	s28 =	rddreg [dreg:$0x14];
	[sflag:s14] =	ssyncadd.s32 $0xFFFFF000  }
0x90: {  	[hbm4b:s28+s3] =	stream.linear.scatter [tilespmem:s20], [sflag:$0x11], $0x1000, $0x38;
	[tilespmem:$0x12140] =	vst v63  }
0x91: {  	_ =	swait.ge [sflag:s15], $0x1000  }
0x92: {  	[sflag:s15] =	ssyncset.done $0x0  }
0x93: {  	s16 =	simm.s32 $0x10;
	s29 =	rddreg [dreg:$0x15];
	[sflag:s15] =	ssyncadd.s32 $0xFFFFF000  }
0x94: {  	[hbm4b:s29+s3] =	stream.linear.scatter [tilespmem:s21], [sflag:$0x11], $0x1000, $0x38;
	[tilespmem:$0x12140] =	vst v63  }
0x95: {  	_ =	swait.ge [sflag:s16], $0x1000  }
0x96: {  	[sflag:s16] =	ssyncset.done $0x0  }
0x97: {  	s17 =	simm.s32 $0x11;
	s30 =	rddreg [dreg:$0x16];
	[sflag:s16] =	ssyncadd.s32 $0xFFFFF000  }
0x98: {  	[hbm4b:s30+s3] =	stream.linear.scatter [tilespmem:s22], [sflag:$0x11], $0x1000, $0x38;
	[tilespmem:$0x12140] =	vst v63  }
0x99: {  	_ =	swait.ge [sflag:s17], $0x1000  }
0x9a: {  	[sflag:s17] =	ssyncset.done $0x0  }
0x9b: {  	[sflag:s17] =	ssyncadd.s32 $0xFFFFF000  }
0x9c: {  	_ =	swait.ge [sflag:s17], $0x1000  }
0x9d: {  	[sflag:s17] =	ssyncset.done $0x0  }
0x9e: {  	[sflag:s17] =	ssyncadd.s32 $0xFFFFF000  }
0x9f: {  	_ =	swait.ge [sflag:s17], $0x1000  }
0xa0: {  	[sflag:s17] =	ssyncset.done $0x0  }
0xa1: {  	[sflag:s17] =	ssyncadd.s32 $0xFFFFF000  }
0xa2: {  	_ =	swait.ge [sflag:s17], $0x1000  }
0xa3: {  	[sflag:s17] =	ssyncset.done $0x0  }
0xa4: {  	[sflag:s17] =	ssyncadd.s32 $0xFFFFF000  }
0xa5: {  	_ =	swait.ge [sflag:s17], $0x1000  }
0xa6: {  	[sflag:s17] =	ssyncset.done $0x0  }
0xa7: {  	[sflag:s17] =	ssyncadd.s32 $0xFFFFF000  }
0xa8: {  	_ =	swait.ge [sflag:s17], $0x1000  }
0xa9: {  	[sflag:s17] =	ssyncset.done $0x0  }
0xaa: {  	[sflag:s17] =	ssyncadd.s32 $0xFFFFF000  }
0xab: {  	_ =	swait.ge [sflag:s17], $0x1000  }
0xac: {  	[sflag:s17] =	ssyncset.done $0x0  }
0xad: {  	[sflag:s17] =	ssyncadd.s32 $0xFFFFF000  }
0xae: {  	_ =	swait.ge [sflag:s17], $0x1000  }
0xaf: {  	[sflag:s17] =	ssyncset.done $0x0  }
0xb0: {  	[sflag:s17] =	ssyncadd.s32 $0xFFFFF000  }
0xb1: {  	_ =	swait.ge [sflag:s17], $0x1000  }
0xb2: {  	[sflag:s17] =	ssyncset.done $0x0  }
0xb3: {  	[sflag:s17] =	ssyncadd.s32 $0xFFFFF000  }
0xb4: {  	_ =	swait.ge [sflag:s17], $0x1000  }
0xb5: {  	[sflag:s17] =	ssyncset.done $0x0  }
0xb6: {  	[sflag:s17] =	ssyncadd.s32 $0xFFFFF000  }
0xb7: {  	_ =	swait.ge [sflag:s17], $0x1000  }
0xb8: {  	[sflag:s17] =	ssyncset.done $0x0  }
0xb9: {  	[sflag:s17] =	ssyncadd.s32 $0xFFFFF000  }
0xba: {  	s31 =	ssub.s32 $0x2, s18;
	_ =	swait.ge [sflag:s17], $0x1000  }
0xbb: {  	s18 =	sshrl.u32 s31, $0x1;
	[sflag:s17] =	ssyncset.done $0x0  }
0xbc: {  	s18 =	ssub.s32 s31, s18;
	[sflag:s17] =	ssyncadd.s32 $0xFFFFF000  }
0xbd: {  	s18 =	smax.u32 s18, $0x1;
	_ =	swait.ge [sflag:s17], $0x1000  }
0xbe: {  	s18 =	sadd.s32 $0xFFFFFFFF, s18;
	[sflag:s17] =	ssyncset.done $0x0  }
0xbf: {  	p1 =	sne.s32 s18, $0x0;
	[sflag:s17] =	ssyncadd.s32 $0xFFFFF000  }
.Ltmp0:
0xc0: {  	_ =	swait.ge [sflag:s17], $0x1000;
	(pc) =	sbr.rel @!p1 .LBB2_3-.Ltmp0, $4  }
0xc1: {  	[sflag:s17] =	ssyncset.done $0x0  }
0xc2: {  	[sflag:s17] =	ssyncadd.s32 $0xFFFFF000  }
0xc3: {  	_ =	swait.ge [sflag:s17], $0x1000  }
0xc4: {  	[sflag:s17] =	ssyncset.done $0x0  }
0xc5: {  	s23 =	simm.s32 $0x1200;
	s24 =	simm.s32 $0x2200  }
0xc6: {  	s25 =	simm.s32 $0x3200;
	s22 =	simm.s32 $0x4200;
	s7 =	simm.s32 $0x6200  }
0xc7: {  	s8 =	simm.s32 $0x7200;
	s26 =	simm.s32 $0x8200;
	s28 =	simm.s32 $0x9200  }
0xc8: {  	s29 =	simm.s32 $0xA200;
	s30 =	simm.s32 $0xB200;
	s31 =	simm.s32 $0xC200  }
0xc9: {  	s0 =	simm.s32 $0xD200;
	s1 =	simm.s32 $0xE200;
	s5 =	simm.s32 $0xF200  }
.LBB2_2:
0xca: {  	[sflag:s17] =	ssyncadd.s32 $0xFFFFF000  }
0xcb: {  	_ =	swait.ge [sflag:s17], $0x1000  }
0xcc: {  	s21 =	simm.s32 @p0 $0x1FD2;
	s19 =	rddreg [dreg:$0x6];
	[sflag:s17] =	ssyncset.done $0x0  }
0xcd: {  	s6 =	simm.s32 @p0 $0x12;
	s20 =	rddreg [dreg:$0x19];
	[sflag:s17] =	ssyncadd.s32 $0xFFFFF000  }
0xce: {  	[spmem:s20], [sflag:s21] =	dma.local @p0 [hbm:s19], $0x280  }
0xcf: {  	_ =	swait.ge @p0 [sflag:s6], $0x280  }
0xd0: {  	s19 =	rddreg [dreg:$0x18]  }
0xd1: {  	[sflag:s6] =	ssyncset.done @p0 $0x0;
	s20 =	rddreg [dreg:$0x5]  }
0xd2: {  	s21 =	rddreg [dreg:$0x17];
	[sflag:s6] =	ssyncadd.s32 @p0 $0xFFFFFD80;
	s6 =	simm.s32 @!p0 $0x12  }
0xd3: {  	[spmem:s19], [sflag:s21] =	dma.local @!p0 [hbm:s20], $0x400  }
0xd4: {  	_ =	swait.ge @!p0 [sflag:s6], $0x400  }
0xd5: {  	[sflag:s6] =	ssyncset.done @!p0 $0x0  }
0xd6: {  	s21 =	simm.s32 $0x12;
	s20 =	rddreg [dreg:$0x7];
	[sflag:s6] =	ssyncadd.s32 @!p0 $0xFFFFFC00  }
0xd7: {  	[tilespmem:s3], [sflag:$0x12] =	stream.linear.gather [hbm4b:s20+s3], $0x200, $0x38;
	[tilespmem:$0x12140] =	vst v63  }
0xd8: {  	_ =	swait.ge [sflag:s21], $0x200  }
0xd9: {  	[sflag:s21] =	ssyncset.done $0x0  }
0xda: {  	[sflag:s21] =	ssyncadd.s32 $0xFFFFFE00  }
0xdb: {  	s21 =	simm.s32 $0x200;
	[bflag:$0x0] =	sbarrier.arrive $0xFFFF  }
0xdc: {  	[tilespmem:s21], [sflag:$0x1] =	stream.indirect.gather [spmem:s2], $0x80, s3, s9, $0xb8;
	[tilespmem:$0x12140] =	vst v63  }
0xdd: {  	s6 =	rddreg [dreg:$0x1a]  }
0xde: {  	[tilespmem:s23], [sflag:$0x2] =	stream.indirect.gather [spmem:s2], $0x80, s9, s9, $0xb8;
	[tilespmem:$0x12140] =	vst v63  }
0xdf: {  	s20 =	rddreg [dreg:$0x1b]  }
0xe0: {  	[tilespmem:s24], [sflag:$0x3] =	stream.indirect.gather [spmem:s2], $0x80, s6, s9, $0xb8;
	[tilespmem:$0x12140] =	vst v63  }
0xe1: {  	s19 =	rddreg [dreg:$0x1e]  }
0xe2: {  	[tilespmem:s25], [sflag:$0x4] =	stream.indirect.gather [spmem:s2], $0x80, s20, s9, $0xb8;
	[tilespmem:$0x12140] =	vst v63  }
0xe3: {  	s6 =	rddreg [dreg:$0x1c]  }
0xe4: {  	[tilespmem:s22], [sflag:$0x5] =	stream.indirect.gather [spmem:s2], $0x80, s6, s9, $0xb8;
	[tilespmem:$0x12140] =	vst v63  }
0xe5: {  	s20 =	rddreg [dreg:$0x1d];
	s6 =	simm.s32 $0x5200  }
0xe6: {  	[tilespmem:s6], [sflag:$0x6] =	stream.indirect.gather [spmem:s2], $0x80, s20, s9, $0xb8;
	[tilespmem:$0x12140] =	vst v63  }
0xe7: {  	s20 =	rddreg [dreg:$0x1f]  }
0xe8: {  	[tilespmem:s7], [sflag:$0x7] =	stream.indirect.gather [spmem:s2], $0x80, s19, s9, $0xb8;
	[tilespmem:$0x12140] =	vst v63  }
0xe9: {  	s19 =	sld [smem:$0x7F5]  }
0xea: {  	[tilespmem:s8], [sflag:$0x8] =	stream.indirect.gather [spmem:s2], $0x80, s20, s9, $0xb8;
	[tilespmem:$0x12140] =	vst v63  }
0xeb: {  	s20 =	sld [smem:$0x7F6]  }
0xec: {  	[tilespmem:s26], [sflag:$0x9] =	stream.indirect.gather [spmem:s2], $0x80, s19, s9, $0xb8;
	[tilespmem:$0x12140] =	vst v63  }
0xed: {  	s19 =	sld [smem:$0x7F7]  }
0xee: {  	[tilespmem:s28], [sflag:$0xA] =	stream.indirect.gather [spmem:s2], $0x80, s20, s9, $0xb8;
	[tilespmem:$0x12140] =	vst v63  }
0xef: {  	s20 =	sld [smem:$0x7F8]  }
0xf0: {  	[tilespmem:s29], [sflag:$0xB] =	stream.indirect.gather [spmem:s2], $0x80, s19, s9, $0xb8;
	[tilespmem:$0x12140] =	vst v63  }
0xf1: {  	s19 =	sld [smem:$0x7F9]  }
0xf2: {  	[tilespmem:s30], [sflag:$0xC] =	stream.indirect.gather [spmem:s2], $0x80, s20, s9, $0xb8;
	[tilespmem:$0x12140] =	vst v63  }
0xf3: {  	s20 =	sld [smem:$0x7FA]  }
0xf4: {  	[tilespmem:s31], [sflag:$0xD] =	stream.indirect.gather [spmem:s2], $0x80, s19, s9, $0xb8;
	[tilespmem:$0x12140] =	vst v63  }
0xf5: {  	s19 =	sld [smem:$0x7FB]  }
0xf6: {  	[tilespmem:s0], [sflag:$0xE] =	stream.indirect.gather [spmem:s2], $0x80, s20, s9, $0xb8;
	[tilespmem:$0x12140] =	vst v63  }
0xf7: {  	s20 =	sld [smem:$0x7FC]  }
0xf8: {  	[tilespmem:s1], [sflag:$0xF] =	stream.indirect.gather [spmem:s2], $0x80, s19, s9, $0xb8;
	[tilespmem:$0x12140] =	vst v63  }
0xf9: {  	_ = 	snop  }
0xfa: {  	[tilespmem:s5], [sflag:$0x10] =	stream.indirect.gather [spmem:s2], $0x80, s20, s9, $0xb8;
	[tilespmem:$0x12140] =	vst v63  }
0xfb: {  	s20 =	simm.s32 $0x1  }
0xfc: {  	_ =	swait.ge [sflag:s20], $0x1000  }
0xfd: {  	[sflag:s20] =	ssyncset.done $0x0  }
0xfe: {  	[sflag:s20] =	ssyncadd.s32 $0xFFFFF000;
	s20 =	sld [smem:$0x7FD];
	_ =	sdelay $0x1  }
0xff: {  	s19 =	simm.s32 $0x2  }
0x100: {  	[hbm4b:s20+s3] =	stream.linear.scatter [tilespmem:s21], [sflag:$0x11], $0x1000, $0x38;
	[tilespmem:$0x12140] =	vst v63  }
0x101: {  	_ =	swait.ge [sflag:s19], $0x1000  }
0x102: {  	[sflag:s19] =	ssyncset.done $0x0  }
0x103: {  	s21 =	rddreg [dreg:$0x8];
	[sflag:s19] =	ssyncadd.s32 $0xFFFFF000;
	s19 =	simm.s32 $0x3  }
0x104: {  	[hbm4b:s21+s3] =	stream.linear.scatter [tilespmem:s23], [sflag:$0x11], $0x1000, $0x38;
	[tilespmem:$0x12140] =	vst v63  }
0x105: {  	_ =	swait.ge [sflag:s19], $0x1000  }
0x106: {  	[sflag:s19] =	ssyncset.done $0x0  }
0x107: {  	s21 =	rddreg [dreg:$0x9];
	[sflag:s19] =	ssyncadd.s32 $0xFFFFF000;
	s19 =	simm.s32 $0x4  }
0x108: {  	[hbm4b:s21+s3] =	stream.linear.scatter [tilespmem:s24], [sflag:$0x11], $0x1000, $0x38;
	[tilespmem:$0x12140] =	vst v63  }
0x109: {  	_ =	swait.ge [sflag:s19], $0x1000  }
0x10a: {  	[sflag:s19] =	ssyncset.done $0x0  }
0x10b: {  	s21 =	rddreg [dreg:$0xa];
	[sflag:s19] =	ssyncadd.s32 $0xFFFFF000;
	s19 =	simm.s32 $0x5  }
0x10c: {  	[hbm4b:s21+s3] =	stream.linear.scatter [tilespmem:s25], [sflag:$0x11], $0x1000, $0x38;
	[tilespmem:$0x12140] =	vst v63  }
0x10d: {  	_ =	swait.ge [sflag:s19], $0x1000  }
0x10e: {  	[sflag:s19] =	ssyncset.done $0x0  }
0x10f: {  	s21 =	rddreg [dreg:$0xb];
	[sflag:s19] =	ssyncadd.s32 $0xFFFFF000;
	s19 =	simm.s32 $0x6  }
0x110: {  	[hbm4b:s21+s3] =	stream.linear.scatter [tilespmem:s22], [sflag:$0x11], $0x1000, $0x38;
	[tilespmem:$0x12140] =	vst v63  }
0x111: {  	_ =	swait.ge [sflag:s19], $0x1000  }
0x112: {  	[sflag:s19] =	ssyncset.done $0x0  }
0x113: {  	s20 =	simm.s32 $0x7;
	s21 =	rddreg [dreg:$0xc];
	[sflag:s19] =	ssyncadd.s32 $0xFFFFF000  }
0x114: {  	[hbm4b:s21+s3] =	stream.linear.scatter [tilespmem:s6], [sflag:$0x11], $0x1000, $0x38;
	[tilespmem:$0x12140] =	vst v63  }
0x115: {  	_ =	swait.ge [sflag:s20], $0x1000  }
0x116: {  	[sflag:s20] =	ssyncset.done $0x0  }
0x117: {  	s21 =	rddreg [dreg:$0xd];
	[sflag:s20] =	ssyncadd.s32 $0xFFFFF000;
	s20 =	simm.s32 $0x8  }
0x118: {  	[hbm4b:s21+s3] =	stream.linear.scatter [tilespmem:s7], [sflag:$0x11], $0x1000, $0x38;
	[tilespmem:$0x12140] =	vst v63  }
0x119: {  	_ =	swait.ge [sflag:s20], $0x1000  }
0x11a: {  	[sflag:s20] =	ssyncset.done $0x0  }
0x11b: {  	s21 =	rddreg [dreg:$0xe];
	[sflag:s20] =	ssyncadd.s32 $0xFFFFF000  }
0x11c: {  	[hbm4b:s21+s3] =	stream.linear.scatter [tilespmem:s8], [sflag:$0x11], $0x1000, $0x38;
	[tilespmem:$0x12140] =	vst v63  }
0x11d: {  	_ =	swait.ge [sflag:s4], $0x1000  }
0x11e: {  	[sflag:s4] =	ssyncset.done $0x0  }
0x11f: {  	s20 =	rddreg [dreg:$0xf];
	[sflag:s4] =	ssyncadd.s32 $0xFFFFF000  }
0x120: {  	[hbm4b:s20+s3] =	stream.linear.scatter [tilespmem:s26], [sflag:$0x11], $0x1000, $0x38;
	[tilespmem:$0x12140] =	vst v63  }
0x121: {  	_ =	swait.ge [sflag:s10], $0x1000  }
0x122: {  	[sflag:s10] =	ssyncset.done $0x0  }
0x123: {  	s21 =	rddreg [dreg:$0x10];
	[sflag:s10] =	ssyncadd.s32 $0xFFFFF000  }
0x124: {  	[hbm4b:s21+s3] =	stream.linear.scatter [tilespmem:s28], [sflag:$0x11], $0x1000, $0x38;
	[tilespmem:$0x12140] =	vst v63  }
0x125: {  	_ =	swait.ge [sflag:s11], $0x1000  }
0x126: {  	[sflag:s11] =	ssyncset.done $0x0  }
0x127: {  	s6 =	rddreg [dreg:$0x11];
	[sflag:s11] =	ssyncadd.s32 $0xFFFFF000  }
0x128: {  	[hbm4b:s6+s3] =	stream.linear.scatter [tilespmem:s29], [sflag:$0x11], $0x1000, $0x38;
	[tilespmem:$0x12140] =	vst v63  }
0x129: {  	_ =	swait.ge [sflag:s12], $0x1000  }
0x12a: {  	[sflag:s12] =	ssyncset.done $0x0  }
0x12b: {  	s20 =	rddreg [dreg:$0x12];
	[sflag:s12] =	ssyncadd.s32 $0xFFFFF000  }
0x12c: {  	[hbm4b:s20+s3] =	stream.linear.scatter [tilespmem:s30], [sflag:$0x11], $0x1000, $0x38;
	[tilespmem:$0x12140] =	vst v63  }
0x12d: {  	_ =	swait.ge [sflag:s13], $0x1000  }
0x12e: {  	[sflag:s13] =	ssyncset.done $0x0  }
0x12f: {  	s21 =	rddreg [dreg:$0x13];
	[sflag:s13] =	ssyncadd.s32 $0xFFFFF000  }
0x130: {  	[hbm4b:s21+s3] =	stream.linear.scatter [tilespmem:s31], [sflag:$0x11], $0x1000, $0x38;
	[tilespmem:$0x12140] =	vst v63  }
0x131: {  	_ =	swait.ge [sflag:s14], $0x1000  }
0x132: {  	[sflag:s14] =	ssyncset.done $0x0  }
0x133: {  	s6 =	rddreg [dreg:$0x14];
	[sflag:s14] =	ssyncadd.s32 $0xFFFFF000  }
0x134: {  	[hbm4b:s6+s3] =	stream.linear.scatter [tilespmem:s0], [sflag:$0x11], $0x1000, $0x38;
	[tilespmem:$0x12140] =	vst v63  }
0x135: {  	_ =	swait.ge [sflag:s15], $0x1000  }
0x136: {  	[sflag:s15] =	ssyncset.done $0x0  }
0x137: {  	s20 =	rddreg [dreg:$0x15];
	[sflag:s15] =	ssyncadd.s32 $0xFFFFF000  }
0x138: {  	[hbm4b:s20+s3] =	stream.linear.scatter [tilespmem:s1], [sflag:$0x11], $0x1000, $0x38;
	[tilespmem:$0x12140] =	vst v63  }
0x139: {  	_ =	swait.ge [sflag:s16], $0x1000  }
0x13a: {  	[sflag:s16] =	ssyncset.done $0x0  }
0x13b: {  	s21 =	rddreg [dreg:$0x16];
	[sflag:s16] =	ssyncadd.s32 $0xFFFFF000  }
0x13c: {  	[hbm4b:s21+s3] =	stream.linear.scatter [tilespmem:s5], [sflag:$0x11], $0x1000, $0x38;
	[tilespmem:$0x12140] =	vst v63  }
0x13d: {  	_ =	swait.ge [sflag:s17], $0x1000  }
0x13e: {  	[sflag:s17] =	ssyncset.done $0x0  }
0x13f: {  	[sflag:s17] =	ssyncadd.s32 $0xFFFFF000  }
0x140: {  	_ =	swait.ge [sflag:s17], $0x1000  }
0x141: {  	[sflag:s17] =	ssyncset.done $0x0  }
0x142: {  	[sflag:s17] =	ssyncadd.s32 $0xFFFFF000  }
0x143: {  	_ =	swait.ge [sflag:s17], $0x1000  }
0x144: {  	[sflag:s17] =	ssyncset.done $0x0  }
0x145: {  	[sflag:s17] =	ssyncadd.s32 $0xFFFFF000  }
0x146: {  	_ =	swait.ge [sflag:s17], $0x1000  }
0x147: {  	[sflag:s17] =	ssyncset.done $0x0  }
0x148: {  	[sflag:s17] =	ssyncadd.s32 $0xFFFFF000  }
0x149: {  	_ =	swait.ge [sflag:s17], $0x1000  }
0x14a: {  	[sflag:s17] =	ssyncset.done $0x0  }
0x14b: {  	[sflag:s17] =	ssyncadd.s32 $0xFFFFF000  }
0x14c: {  	_ =	swait.ge [sflag:s17], $0x1000  }
0x14d: {  	[sflag:s17] =	ssyncset.done $0x0  }
0x14e: {  	[sflag:s17] =	ssyncadd.s32 $0xFFFFF000  }
0x14f: {  	_ =	swait.ge [sflag:s17], $0x1000  }
0x150: {  	[sflag:s17] =	ssyncset.done $0x0  }
0x151: {  	[sflag:s17] =	ssyncadd.s32 $0xFFFFF000  }
0x152: {  	_ =	swait.ge [sflag:s17], $0x1000  }
0x153: {  	[sflag:s17] =	ssyncset.done $0x0  }
0x154: {  	[sflag:s17] =	ssyncadd.s32 $0xFFFFF000  }
0x155: {  	_ =	swait.ge [sflag:s17], $0x1000  }
0x156: {  	[sflag:s17] =	ssyncset.done $0x0  }
0x157: {  	[sflag:s17] =	ssyncadd.s32 $0xFFFFF000  }
0x158: {  	_ =	swait.ge [sflag:s17], $0x1000  }
0x159: {  	[sflag:s17] =	ssyncset.done $0x0  }
0x15a: {  	[sflag:s17] =	ssyncadd.s32 $0xFFFFF000  }
0x15b: {  	_ =	swait.ge [sflag:s17], $0x1000  }
0x15c: {  	[sflag:s17] =	ssyncset.done $0x0  }
0x15d: {  	[sflag:s17] =	ssyncadd.s32 $0xFFFFF000  }
0x15e: {  	_ =	swait.ge [sflag:s17], $0x1000  }
0x15f: {  	[sflag:s17] =	ssyncset.done $0x0  }
0x160: {  	[sflag:s17] =	ssyncadd.s32 $0xFFFFF000  }
0x161: {  	_ =	swait.ge [sflag:s17], $0x1000  }
0x162: {  	s18 =	sadd.s32 $0xFFFFFFFF, s18;
	[sflag:s17] =	ssyncset.done $0x0  }
0x163: {  	p1 =	sne.s32 s18, $0x0;
	[sflag:s17] =	ssyncadd.s32 $0xFFFFF000  }
.Ltmp1:
0x164: {  	_ =	swait.ge [sflag:s17], $0x1000;
	(pc) =	sbr.rel @p1 .LBB2_2-.Ltmp1, $4  }
0x165: {  	[sflag:s17] =	ssyncset.done $0x0  }
0x166: {  	[sflag:s17] =	ssyncadd.s32 $0xFFFFF000  }
0x167: {  	_ =	swait.ge [sflag:s17], $0x1000  }
0x168: {  	[sflag:s17] =	ssyncset.done $0x0  }
.LBB2_3:
0x169: {  	[sflag:s17] =	ssyncadd.s32 $0xFFFFF000  }
0x16a: {  	_ =	swait.ge [sflag:s17], $0x1000  }
0x16b: {  	[sflag:s17] =	ssyncset.done $0x0  }
0x16c: {  	[sflag:s17] =	ssyncadd.s32 $0xFFFFF000  }
0x16d: {  	_ =	sfence.sel $0x180000  }
0x16e: {  	[bflag:$0x0] =	sbarrier.arrive $0xFFFF  }
0x16f: {  	_ =	strace $0x90000047  }
0x170: {  	s0 =	stileid.u32;
	[bflag:$0x2] =	sbarrier.arrive $0xFFFF  }
0x171: {  	p0 =	sne.s32 s0, $0x0;
	s0 =	rddreg [dreg:$0x4]  }
0x172: {  	s0 =	sadd.s32 @!p0 $0x100000, s0  }
0x173: {  	[sflag:s0] =	ssyncadd.tile.s32 @!p0 $0x1;
	_ =	shalt  }
.Lfunc_end2:
_tile_overlayer_lowered:
.L_overlay_start_2:
0x174: {  	(tag) =	ssettag $0x2  }
0x175: {  	s0 =	rddreg [dreg:$0x0];
	s2 =	stileid.u32  }
0x176: {  	s1 =	rddreg [dreg:$0x1];
	p0 =	sne.s32 s2, $0x0  }
0x177: {  	s3 =	rddreg [dreg:$0x2];
	[bflag:$0x3] =	sbarrier.arrive $0xFFFF;
	s2 =	simm.s32 @!p0 $0x1C12  }
0x178: {  	[timem:s3], [sflag:s2] =	dma.local @!p0 [hbm:s0], s1  }
0x179: {  	s0 =	simm.s32 @!p0 $0x12  }
0x17a: {  	_ =	swait.ge @!p0 [sflag:s0], s1  }
0x17b: {  	s1 =	ssub.s32 @!p0 $0x0, s1;
	[sflag:s0] =	ssyncset.done @!p0 $0x0  }
0x17c: {  	[sflag:s0] =	ssyncadd.s32 @!p0 s1  }
0x17d: {  	[bflag:$0x3] =	sbarrier.arrive $0xFFFF  }
0x17e: {  	_ =	shalt  }

</sc_bundles>
